<compile_context>
chip_gen: v7x
topology: tpu7x:2x2x1
jax: 0.10.2.dev20260603
libtpu: 0.0.44.dev20260713+nightly
codegen_flags: <defaults>
</compile_context>

<pallas_src>
import functools

import jax
import jax.numpy as jnp
from jax.experimental import pallas as pl
from jax.experimental.pallas import tpu as pltpu
from jax.experimental.pallas import tpu_sc as plsc

MM = 1024
HID = 2048
N_Q = 576
HEADS = 8
HEAD_DIM = 128
BATCH = 4
TOKENS = BATCH * N_Q

def _bf(a):
    return a.astype(jnp.bfloat16)


def _DOT(a, b):
    return jnp.dot(a, b, preferred_element_type=jnp.float32)


def _dot_t(a, b):
    return jax.lax.dot_general(a, b, (((1,), (1,)), ((), ())),
                               preferred_element_type=jnp.float32)


def _ln(x, g, b, eps=1e-5):
    mu = jnp.mean(x, axis=-1, keepdims=True)
    var = jnp.mean((x - mu) ** 2, axis=-1, keepdims=True)
    return (x - mu) * jax.lax.rsqrt(var + eps) * g + b


def _gelu(h):
    return 0.5 * h * (1.0 + jax.lax.erf(h * 0.7071067811865476))


def _q_kernel(query_ref, pos_ref, g_ref, b_ref, wq_ref, bq_ref, x_ref,
              wgt_ref, qh_ref, l0_ref, l1_ref):
    qf = _ln(query_ref[...], g_ref[...], b_ref[...]) + pos_ref[...]
    qh_ref[...] = _dot_t(qf, wq_ref[...]) + bq_ref[...]
    x = x_ref[...]
    wgt = wgt_ref[...]
    l0 = jnp.sum(x * wgt[0:1, :], axis=1, keepdims=True)
    l1 = jnp.sum(x * wgt[1:2, :], axis=1, keepdims=True)
    l0_ref[...] = l0.reshape(l0.shape[0])
    l1_ref[...] = l1.reshape(l1.shape[0])


def _resampler_kernel(qh_ref, x_ref, pos_ref, g_ref, b_ref, wk_ref, wv_ref,
                      bk_ref, bv_ref, ow_ref, ob_ref, o_ref):
    kv = _ln(x_ref[...], g_ref[...], b_ref[...])
    kh = _dot_t(kv + pos_ref[...], wk_ref[...]) + bk_ref[...]
    vh = _dot_t(kv, wv_ref[...]) + bv_ref[...]
    qh = qh_ref[...]
    scale = 1.0 / (HEAD_DIM ** 0.5)
    outs = []
    for h in range(HEADS):
        sl = slice(h * HEAD_DIM, (h + 1) * HEAD_DIM)
        s = _dot_t(qh[:, sl], kh[:, sl]) * scale
        s = s - jnp.max(s, axis=-1, keepdims=True)
        e = jnp.exp(s)
        p = e * (1.0 / jnp.sum(e, axis=-1, keepdims=True))
        outs.append(_DOT(p, vh[:, sl]))
    o = jnp.concatenate(outs, axis=1)
    o_ref[...] = _bf(_dot_t(o, ow_ref[...]) + ob_ref[...])


def _sc_gates(l0, l1):
    mesh = plsc.VectorSubcoreMesh(core_axis_name="c", subcore_axis_name="s")
    f32 = jnp.float32

    @functools.partial(
        pl.kernel,
        out_type=[jax.ShapeDtypeStruct((TOKENS,), f32),
                  jax.ShapeDtypeStruct((TOKENS,), f32)],
        mesh=mesh, scratch_types=[])
    def gates_kernel(l0_hbm, l1_hbm, g0_hbm, g1_hbm):
        def body(l0v, l1v, g0v, g1v):
            @pl.loop(0, TOKENS, step=16)
            def _(c):
                sl = (pl.ds(c, 16),)
                a = l0v.at[*sl][...]
                b = l1v.at[*sl][...]
                m = jnp.maximum(a, b)
                ea = jnp.exp(a - m)
                eb = jnp.exp(b - m)
                s = ea + eb
                p0 = ea / s
                p1 = eb / s
                d = p0 + p1 + 1e-6
                g0v.at[*sl][...] = p0 / d
                g1v.at[*sl][...] = p1 / d

        pltpu.emit_pipeline(
            body,
            grid=(1,),
            in_specs=[pl.BlockSpec((TOKENS,), lambda i: (0,)),
                      pl.BlockSpec((TOKENS,), lambda i: (0,))],
            out_specs=[pl.BlockSpec((TOKENS,), lambda i: (0,)),
                       pl.BlockSpec((TOKENS,), lambda i: (0,))],
            core_axis_name=("c", "s"),
            dimension_semantics=(pltpu.PARALLEL,),
        )(l0_hbm, l1_hbm, g0_hbm, g1_hbm)

    return gates_kernel(l0, l1)


def _mlp_kernel(x_ref, a_ref, w1_ref, b1_ref, w2_ref, b2_ref, g0_ref, g1_ref,
                o_ref):
    g0 = g0_ref[...].reshape(g0_ref.shape[0], 1)
    g1 = g1_ref[...].reshape(g1_ref.shape[0], 1)
    h0 = _gelu(_DOT(x_ref[...], w1_ref[...]) + b1_ref[...])
    h1 = _gelu(_DOT(a_ref[...], w1_ref[...]) + b1_ref[...])
    hm = g0 * h0 + g1 * h1
    o_ref[...] = _DOT(hm, w2_ref[...]) + (g0 + g1) * b2_ref[...]


def kernel(x, proj_w1, proj_b1, proj_w2, proj_b2, query, ln_q_g, ln_q_b,
           ln_kv_g, ln_kv_b, in_proj_w, in_proj_b, out_proj_w, out_proj_b,
           w_gate, pos_embed):
    f32 = jnp.float32
    xf = x.reshape(TOKENS, MM)
    bq, bk, bv = (in_proj_b[:MM][None, :], in_proj_b[MM:2 * MM][None, :],
                  in_proj_b[2 * MM:][None, :])
    ln_q_g2, ln_q_b2 = ln_q_g[None, :], ln_q_b[None, :]
    ln_kv_g2, ln_kv_b2 = ln_kv_g[None, :], ln_kv_b[None, :]
    b1_2 = proj_b1[None, :]
    b2_2 = proj_b2[None, :]
    ob_2 = out_proj_b[None, :]
    wgt = w_gate.T
    bf16 = jnp.bfloat16

    MT = 256
    qh, l0_, l1_ = pl.pallas_call(
        _q_kernel,
        grid=(1,),
        in_specs=[
            pl.BlockSpec((N_Q, MM), lambda i: (0, 0)),
            pl.BlockSpec((N_Q, MM), lambda i: (0, 0)),
            pl.BlockSpec((1, MM), lambda i: (0, 0)),
            pl.BlockSpec((1, MM), lambda i: (0, 0)),
            pl.BlockSpec((MM, MM), lambda i: (0, 0)),
            pl.BlockSpec((1, MM), lambda i: (0, 0)),
            pl.BlockSpec((TOKENS, MM), lambda i: (0, 0)),
            pl.BlockSpec((2, MM), lambda i: (0, 0)),
        ],
        out_specs=[pl.BlockSpec((N_Q, MM), lambda i: (0, 0)),
                   pl.BlockSpec((TOKENS,), lambda i: (0,)),
                   pl.BlockSpec((TOKENS,), lambda i: (0,))],
        out_shape=[jax.ShapeDtypeStruct((N_Q, MM), f32),
                   jax.ShapeDtypeStruct((TOKENS,), f32),
                   jax.ShapeDtypeStruct((TOKENS,), f32)],
    )(query, pos_embed, ln_q_g2, ln_q_b2, in_proj_w, bq, xf, wgt)
    g0, g1 = _sc_gates(l0_, l1_)

    attn_out = pl.pallas_call(
        _resampler_kernel,
        grid=(BATCH,),
        in_specs=[
            pl.BlockSpec((N_Q, MM), lambda i: (0, 0)),
            pl.BlockSpec((N_Q, MM), lambda i: (i, 0)),
            pl.BlockSpec((N_Q, MM), lambda i: (0, 0)),
            pl.BlockSpec((1, MM), lambda i: (0, 0)),
            pl.BlockSpec((1, MM), lambda i: (0, 0)),
            pl.BlockSpec((MM, MM), lambda i: (1, 0)),
            pl.BlockSpec((MM, MM), lambda i: (2, 0)),
            pl.BlockSpec((1, MM), lambda i: (0, 0)),
            pl.BlockSpec((1, MM), lambda i: (0, 0)),
            pl.BlockSpec((MM, MM), lambda i: (0, 0)),
            pl.BlockSpec((1, MM), lambda i: (0, 0)),
        ],
        out_specs=pl.BlockSpec((N_Q, MM), lambda i: (i, 0)),
        out_shape=jax.ShapeDtypeStruct((TOKENS, MM), bf16),
        compiler_params=pltpu.CompilerParams(
            dimension_semantics=("parallel",)),
    )(qh, xf, pos_embed, ln_kv_g2, ln_kv_b2, in_proj_w, in_proj_w,
      bk, bv, out_proj_w, ob_2)

    out = pl.pallas_call(
        _mlp_kernel,
        grid=(TOKENS // MT,),
        in_specs=[
            pl.BlockSpec((MT, MM), lambda i: (i, 0)),
            pl.BlockSpec((MT, MM), lambda i: (i, 0)),
            pl.BlockSpec((MM, HID), lambda i: (0, 0)),
            pl.BlockSpec((1, HID), lambda i: (0, 0)),
            pl.BlockSpec((HID, HID), lambda i: (0, 0)),
            pl.BlockSpec((1, HID), lambda i: (0, 0)),
            pl.BlockSpec((MT,), lambda i: (i,)),
            pl.BlockSpec((MT,), lambda i: (i,)),
        ],
        out_specs=pl.BlockSpec((MT, HID), lambda i: (i, 0)),
        out_shape=jax.ShapeDtypeStruct((TOKENS, HID), f32),
        compiler_params=pltpu.CompilerParams(
            dimension_semantics=("parallel",)),
    )(xf, attn_out, proj_w1, b1_2, proj_w2, b2_2, g0, g1)

    return out.reshape(BATCH, N_Q, HID)

# --- scband reference (transcript-rebuilt; emitter-appended) ---
"""Pipeline reference for scband-gated-block-34737695490179 (READ-ONLY COPY).

The authoritative reference and input builder live on the scoring server;
editing this copy changes nothing except your own understanding.
"""

import jax, jax.numpy as jnp
import numpy as np

MM = 1024
HID = 2048
N_Q = 576
GRID = 24
HEADS = MM // 128
HEAD_DIM = MM // HEADS
K = 2
NUM_EXPERTS = 2
BATCH = 4


def _sincos_1d(embed_dim, pos):
    omega = np.arange(embed_dim // 2, dtype=np.float64)
    omega /= embed_dim / 2.0
    omega = 1.0 / 10000 ** omega
    pos = pos.reshape(-1)
    out = np.einsum('m,d->md', pos, omega)
    return np.concatenate([np.sin(out), np.cos(out)], axis=1)


def _sincos_2d(embed_dim, grid_size):
    grid_h = np.arange(grid_size, dtype=np.float32)
    grid_w = np.arange(grid_size, dtype=np.float32)
    grid = np.meshgrid(grid_w, grid_h)
    grid = np.stack(grid, axis=0)
    emb_h = _sincos_1d(embed_dim // 2, grid[0])
    emb_w = _sincos_1d(embed_dim // 2, grid[1])
    return np.concatenate([emb_h, emb_w], axis=1).astype(np.float32)


def setup_inputs(seed: int = 0):
    key = jax.random.key(seed)
    ks = jax.random.split(key, 8)
    s = 0.02
    return {
        'x': jax.random.normal(ks[0], (BATCH, N_Q, MM), dtype=jnp.float32),
        'proj_w1': jax.random.normal(ks[1], (MM, HID), dtype=jnp.float32) * s,
        'proj_b1': jnp.zeros((HID,), jnp.float32),
        'proj_w2': jax.random.normal(ks[2], (HID, HID), dtype=jnp.float32) * s,
        'proj_b2': jnp.zeros((HID,), jnp.float32),
        'query': jax.random.normal(ks[3], (N_Q, MM), dtype=jnp.float32) * s,
        'ln_q_g': jnp.ones((MM,), jnp.float32),
        'ln_q_b': jnp.zeros((MM,), jnp.float32),
        'ln_kv_g': jnp.ones((MM,), jnp.float32),
        'ln_kv_b': jnp.zeros((MM,), jnp.float32),
        'in_proj_w': jax.random.normal(ks[4], (3 * MM, MM), dtype=jnp.float32) * s,
        'in_proj_b': jnp.zeros((3 * MM,), jnp.float32),
        'out_proj_w': jax.random.normal(ks[5], (MM, MM), dtype=jnp.float32) * s,
        'out_proj_b': jnp.zeros((MM,), jnp.float32),
        'w_gate': jax.random.normal(ks[6], (MM, NUM_EXPERTS), dtype=jnp.float32) * s,
        'pos_embed': jnp.asarray(_sincos_2d(MM, GRID)),
    }


def _layernorm(x, g, b, eps=1e-5):
    mu = jnp.mean(x, axis=-1, keepdims=True)
    var = jnp.var(x, axis=-1, keepdims=True)
    return (x - mu) / jnp.sqrt(var + eps) * g + b


def _projection(x, w1, b1, w2, b2):
    h = x @ w1 + b1
    h = jax.nn.gelu(h, approximate=False)
    return h @ w2 + b2


def _resampler(x, query, ln_q_g, ln_q_b, ln_kv_g, ln_kv_b, in_w, in_b, out_w, out_b, pos_embed):
    N = x.shape[0]
    kv = _layernorm(x, ln_kv_g, ln_kv_b)
    q = _layernorm(query, ln_q_g, ln_q_b)
    q_full = jnp.broadcast_to(q[None], (N, N_Q, MM)) + pos_embed[None]
    k_full = kv + pos_embed[None]
    v_full = kv
    wq, wk, wv = in_w[:MM], in_w[MM:2 * MM], in_w[2 * MM:]
    bq, bk, bv = in_b[:MM], in_b[MM:2 * MM], in_b[2 * MM:]
    qh = (q_full @ wq.T + bq).reshape(N, N_Q, HEADS, HEAD_DIM).transpose(0, 2, 1, 3)
    kh = (k_full @ wk.T + bk).reshape(N, N_Q, HEADS, HEAD_DIM).transpose(0, 2, 1, 3)
    vh = (v_full @ wv.T + bv).reshape(N, N_Q, HEADS, HEAD_DIM).transpose(0, 2, 1, 3)
    scale = 1.0 / jnp.sqrt(jnp.float32(HEAD_DIM))
    attn = jax.nn.softmax(jnp.einsum('bhqd,bhkd->bhqk', qh, kh) * scale, axis=-1)
    out = jnp.einsum('bhqk,bhkd->bhqd', attn, vh).transpose(0, 2, 1, 3).reshape(N, N_Q, MM)
    return out @ out_w.T + out_b


def reference(x, proj_w1, proj_b1, proj_w2, proj_b2, query, ln_q_g, ln_q_b,
              ln_kv_g, ln_kv_b, in_proj_w, in_proj_b, out_proj_w, out_proj_b,
              w_gate, pos_embed):
    N, C, D = x.shape
    # expert 0: projection MLP
    e0 = _projection(x, proj_w1, proj_b1, proj_w2, proj_b2)
    # expert 1: resampler cross-attention followed by the same projection
    attn_out = _resampler(x, query, ln_q_g, ln_q_b, ln_kv_g, ln_kv_b,
                          in_proj_w, in_proj_b, out_proj_w, out_proj_b, pos_embed)
    e1 = _projection(attn_out, proj_w1, proj_b1, proj_w2, proj_b2)
    # noisy top-k gating (eval path: no noise)
    flat = x.reshape(N * C, D)
    logits = jax.nn.softmax(flat @ w_gate, axis=1)
    m = min(K + 1, NUM_EXPERTS)
    top_vals, top_idx = jax.lax.top_k(logits, m)
    top_k_vals = top_vals[:, :K]
    top_k_idx = top_idx[:, :K]
    top_k_gates = top_k_vals / (jnp.sum(top_k_vals, axis=1, keepdims=True) + 1e-6)
    rows = jnp.arange(N * C)[:, None]
    gates = jnp.zeros_like(logits).at[rows, top_k_idx].set(top_k_gates)
    gates = gates.reshape(N, C, NUM_EXPERTS)
    stacked = jnp.stack([e0, e1], axis=-1)
    output = jnp.squeeze(stacked @ gates[..., None], axis=-1)
    return output

if __name__ == "__main__":
    import jax
    _d = setup_inputs()
    print(jax.jit(kernel)(*tuple(_d.values())))

</pallas_src>

<mosaic_0001>
#map = affine_map<(d0, d1) -> (0)>
module attributes {stable_mosaic.version = 14 : i64} {
  func.func @gates_kernel(%arg0: i32, %arg1: i32, %arg2: memref<2304xf32, #tpu.memory_space<hbm>>, %arg3: memref<2304xf32, #tpu.memory_space<hbm>>, %arg4: memref<2304xf32, #tpu.memory_space<hbm>>, %arg5: memref<2304xf32, #tpu.memory_space<hbm>>) attributes {dimension_semantics = [#tpu.dimension_semantics<core_parallel>, #tpu.dimension_semantics<subcore_parallel>], iteration_bounds = array<i64: 2, 16>, scalar_prefetch = 0 : i64, scratch_operands = 0 : i64, tpu.core_type = #tpu.core_type<sc_vector_subcore>, window_params = [{transform_indices = #map}, {transform_indices = #map}, {transform_indices = #map}, {transform_indices = #map}]} {
    %mul3A = arith.constant 1 : i32
    %mul3A_0 = arith.muli %arg1, %mul3A : i32
    %add3A = arith.constant 0 : i32
    %add3A_1 = arith.addi %add3A, %mul3A_0 : i32
    %mul3A_2 = arith.constant 16 : i32
    %mul3A_3 = arith.muli %arg0, %mul3A_2 : i32
    %add3A_4 = arith.addi %add3A_1, %mul3A_3 : i32
    %lt3A = arith.constant 1 : i32
    %lt3A_5 = arith.cmpi slt, %add3A_4, %lt3A : i32
    %jit3A = arith.constant 1 : i32
    %jit3A_6 = arith.constant 0 : i32
    %select_n3A = arith.select %lt3A_5, %jit3A, %jit3A_6 : i32
    %lt3A_7 = arith.constant 1 : i32
    %lt3A_8 = arith.cmpi slt, %add3A_4, %lt3A_7 : i32
    %mul3A_9 = arith.muli %add3A_4, %select_n3A : i32
    %mul3A_10 = arith.constant 0 : i32
    %mul3A_11 = arith.muli %add3A_4, %mul3A_10 : i32
    %add3A_12 = arith.constant 1 : i32
    %add3A_13 = arith.addi %mul3A_11, %add3A_12 : i32
    %select_n3A_14 = arith.select %lt3A_8, %mul3A_9, %add3A_13 : i32
    %mul3A_15 = arith.constant 1 : i32
    %mul3A_16 = arith.muli %mul3A_15, %select_n3A : i32
    "tpu.region"() ({
      %run_scoped3A = memref.alloca() : memref<2304xf32, #tpu.memory_space<vmem>>
      %run_scoped3A_17 = memref.alloca() : memref<2304xf32, #tpu.memory_space<vmem>>
      %run_scoped3A_18 = memref.alloca() : memref<2304xf32, #tpu.memory_space<vmem>>
      %run_scoped3A_19 = memref.alloca() : memref<2304xf32, #tpu.memory_space<vmem>>
      %gt3A = arith.constant 0 : i32
      %gt3A_20 = arith.cmpi sgt, %mul3A_16, %gt3A : i32
      %convert_element_type3A = arith.extui %gt3A_20 : i1 to i32
      %cond3A = arith.constant 0 : i32
      %cond3A_21 = arith.cmpi ne, %convert_element_type3A, %cond3A : i32
      scf.if %cond3A_21 {
        %mul3A_22 = arith.constant 1 : i32
        %mul3A_23 = arith.muli %mul3A_22, %select_n3A : i32
        %sub3A = arith.constant 1 : i32
        %sub3A_24 = arith.subi %mul3A_23, %sub3A : i32
        %eq3A = arith.constant 0 : i32
        %eq3A_25 = arith.cmpi eq, %sub3A_24, %eq3A : i32
        %add3A_26 = arith.constant 0 : i32
        %add3A_27 = arith.addi %add3A_26, %select_n3A_14 : i32
        %select_n3A_28 = arith.constant true
        %select_n3A_29 = arith.constant 0 : i32
        %select_n3A_30 = arith.constant -1 : i32
        %select_n3A_31 = arith.select %select_n3A_28, %select_n3A_30, %select_n3A_29 : i32
        %eq3A_32 = arith.constant -1 : i32
        %eq3A_33 = arith.cmpi eq, %select_n3A_31, %eq3A_32 : i32
        %sub3A_34 = arith.constant 1 : i32
        %sub3A_35 = arith.subi %select_n3A, %sub3A_34 : i32
        %select_n3A_36 = arith.select %eq3A_33, %sub3A_35, %select_n3A_31 : i32
        %add3A_37 = arith.addi %select_n3A_36, %select_n3A_14 : i32
        %select_n3A_38 = arith.constant true
        %select_n3A_39 = arith.constant 0 : i32
        %select_n3A_40 = arith.constant 1 : i32
        %select_n3A_41 = arith.select %select_n3A_38, %select_n3A_40, %select_n3A_39 : i32
        %eq3A_42 = arith.cmpi eq, %select_n3A_41, %select_n3A : i32
        %select_n3A_43 = arith.constant 0 : i32
        %select_n3A_44 = arith.select %eq3A_42, %select_n3A_43, %select_n3A_41 : i32
        %add3A_45 = arith.addi %select_n3A_44, %select_n3A_14 : i32
        %add3A_46 = arith.constant 1 : i32
        %add3A_47 = arith.addi %select_n3A_44, %add3A_46 : i32
        %select_n3A_48 = arith.constant true
        %select_n3A_49 = arith.select %select_n3A_48, %add3A_47, %select_n3A_44 : i32
        %eq3A_50 = arith.cmpi eq, %select_n3A_49, %select_n3A : i32
        %select_n3A_51 = arith.constant 0 : i32
        %select_n3A_52 = arith.select %eq3A_50, %select_n3A_51, %select_n3A_49 : i32
        %add3A_53 = arith.addi %select_n3A_52, %select_n3A_14 : i32
        "tpu.region"() ({
          %run_scoped3A_118 = tpu.sem_alloc : memref<!tpu.dma_semaphore, #tpu.memory_space<semaphore_mem>>
          tpu.enqueue_dma source(%arg2 : memref<2304xf32, #tpu.memory_space<hbm>>) target(%run_scoped3A : memref<2304xf32, #tpu.memory_space<vmem>>) target_semaphore(%run_scoped3A_118 : memref<!tpu.dma_semaphore, #tpu.memory_space<semaphore_mem>>)
          tpu.wait_dma2 semaphore(%run_scoped3A_118 : memref<!tpu.dma_semaphore, #tpu.memory_space<semaphore_mem>>) src(%arg2 : memref<2304xf32, #tpu.memory_space<hbm>>) dst(%run_scoped3A : memref<2304xf32, #tpu.memory_space<vmem>>)
          tpu.yield
        }) : () -> ()
        "tpu.region"() ({
          %run_scoped3A_118 = tpu.sem_alloc : memref<!tpu.dma_semaphore, #tpu.memory_space<semaphore_mem>>
          tpu.enqueue_dma source(%arg3 : memref<2304xf32, #tpu.memory_space<hbm>>) target(%run_scoped3A_17 : memref<2304xf32, #tpu.memory_space<vmem>>) target_semaphore(%run_scoped3A_118 : memref<!tpu.dma_semaphore, #tpu.memory_space<semaphore_mem>>)
          tpu.wait_dma2 semaphore(%run_scoped3A_118 : memref<!tpu.dma_semaphore, #tpu.memory_space<semaphore_mem>>) src(%arg3 : memref<2304xf32, #tpu.memory_space<hbm>>) dst(%run_scoped3A_17 : memref<2304xf32, #tpu.memory_space<vmem>>)
          tpu.yield
        }) : () -> ()
        %while3A = arith.constant 0 : i32
        %while3A_54 = arith.constant 0 : i32
        %while3A_55 = arith.constant 0 : i32
        %while3A_56 = arith.constant 0 : i32
        %while3A_57 = arith.constant 0 : i32
        %while3A_58 = arith.constant 0 : i32
        %while3A_59 = arith.constant 0 : i32
        %while3A_60 = arith.constant 0 : i32
        %while3A_61 = arith.constant 0 : i32
        %while3A_62 = arith.constant 0 : i32
        %while3A_63 = arith.subi %mul3A_16, %while3A_59 : i32
        %while3A_64 = arith.addi %while3A_59, %while3A_63 : i32
        %while3A_65 = arith.constant 1 : i32
        %while3A_66 = arith.divsi %while3A_63, %while3A_65 : i32
        %while3A_67 = arith.muli %while3A_66, %while3A_65 : i32
        %while3A_68 = arith.addi %while3A_59, %while3A_67 : i32
        %while3A_69 = arith.constant 1 : i32
        %while3A_70:3 = scf.for %while3A_118 = %while3A_59 to %while3A_68 step %while3A_69 iter_args(%while3A_119 = %while3A_60, %while3A_120 = %while3A_61, %while3A_121 = %while3A_62) -> (i32, i32, i32)  : i32 {
          %mul3A_122 = arith.constant 1 : i32
          %mul3A_123 = arith.muli %mul3A_122, %select_n3A : i32
          %eq3A_124 = arith.constant 0 : i32
          %eq3A_125 = arith.cmpi eq, %while3A_118, %eq3A_124 : i32
          %sub3A_126 = arith.constant 1 : i32
          %sub3A_127 = arith.subi %mul3A_123, %sub3A_126 : i32
          %eq3A_128 = arith.cmpi eq, %while3A_118, %sub3A_127 : i32
          %add3A_129 = arith.addi %while3A_121, %select_n3A_14 : i32
          %sub3A_130 = arith.constant 1 : i32
          %sub3A_131 = arith.subi %while3A_121, %sub3A_130 : i32
          %select_n3A_132 = arith.constant true
          %select_n3A_133 = arith.select %select_n3A_132, %sub3A_131, %while3A_121 : i32
          %eq3A_134 = arith.constant -1 : i32
          %eq3A_135 = arith.cmpi eq, %select_n3A_133, %eq3A_134 : i32
          %sub3A_136 = arith.constant 1 : i32
          %sub3A_137 = arith.subi %select_n3A, %sub3A_136 : i32
          %select_n3A_138 = arith.select %eq3A_135, %sub3A_137, %select_n3A_133 : i32
          %add3A_139 = arith.addi %select_n3A_138, %select_n3A_14 : i32
          %add3A_140 = arith.constant 1 : i32
          %add3A_141 = arith.addi %while3A_121, %add3A_140 : i32
          %select_n3A_142 = arith.constant true
          %select_n3A_143 = arith.select %select_n3A_142, %add3A_141, %while3A_121 : i32
          %eq3A_144 = arith.cmpi eq, %select_n3A_143, %select_n3A : i32
          %select_n3A_145 = arith.constant 0 : i32
          %select_n3A_146 = arith.select %eq3A_144, %select_n3A_145, %select_n3A_143 : i32
          %add3A_147 = arith.addi %select_n3A_146, %select_n3A_14 : i32
          %add3A_148 = arith.constant 1 : i32
          %add3A_149 = arith.addi %select_n3A_146, %add3A_148 : i32
          %select_n3A_150 = arith.constant true
          %select_n3A_151 = arith.select %select_n3A_150, %add3A_149, %select_n3A_146 : i32
          %eq3A_152 = arith.cmpi eq, %select_n3A_151, %select_n3A : i32
          %select_n3A_153 = arith.constant 0 : i32
          %select_n3A_154 = arith.select %eq3A_152, %select_n3A_153, %select_n3A_151 : i32
          %add3A_155 = arith.addi %select_n3A_154, %select_n3A_14 : i32
          "tpu.trace_start"() <{level = 10 : i32, message = "ep_run_kernel"}> : () -> ()
          %scan3A = arith.constant 0 : i32
          %scan3A_156 = arith.constant 144 : i32
          %scan3A_157 = arith.addi %scan3A, %scan3A_156 : i32
          %scan3A_158 = arith.constant 1 : i32
          scf.for %scan3A_176 = %scan3A to %scan3A_157 step %scan3A_158  : i32 {
            %mul3A_177 = arith.constant 16 : i32
            %mul3A_178 = arith.muli %scan3A_176, %mul3A_177 : i32
            %add3A_179 = arith.constant 0 : i32
            %add3A_180 = arith.addi %add3A_179, %mul3A_178 : i32
            %get3A = arith.index_cast %add3A_180 : i32 to index
            %get3A_181 = tpu.vector_load %run_scoped3A[%get3A] {strides = array<i32>} : memref<2304xf32, #tpu.memory_space<vmem>>, vector<16xf32>,
            %get3A_182 = vector.shape_cast %get3A_181 : vector<16xf32> to vector<16xf32>
            %get3A_183 = arith.index_cast %add3A_180 : i32 to index
            %get3A_184 = tpu.vector_load %run_scoped3A_17[%get3A_183] {strides = array<i32>} : memref<2304xf32, #tpu.memory_space<vmem>>, vector<16xf32>,
            %get3A_185 = vector.shape_cast %get3A_184 : vector<16xf32> to vector<16xf32>
            %max3A = arith.maximumf %get3A_182, %get3A_185 : vector<16xf32>
            %sub3A_186 = arith.subf %get3A_182, %max3A : vector<16xf32>
            %exp3A = math.exp %sub3A_186 : vector<16xf32>
            %sub3A_187 = arith.subf %get3A_185, %max3A : vector<16xf32>
            %exp3A_188 = math.exp %sub3A_187 : vector<16xf32>
            %add3A_189 = arith.addf %exp3A, %exp3A_188 : vector<16xf32>
            %div3A = arith.divf %exp3A, %add3A_189 : vector<16xf32>
            %div3A_190 = arith.divf %exp3A_188, %add3A_189 : vector<16xf32>
            %add3A_191 = arith.addf %div3A, %div3A_190 : vector<16xf32>
            %add3A_192 = arith.constant 9.99999997E-7 : f32
            %add3A_193 = vector.broadcast %add3A_192 : f32 to vector<16xf32>
            %add3A_194 = arith.addf %add3A_191, %add3A_193 : vector<16xf32>
            %div3A_195 = arith.divf %div3A, %add3A_194 : vector<16xf32>
            %swap3A = arith.index_cast %add3A_180 : i32 to index
            %swap3A_196 = tpu.vector_load %run_scoped3A_18[%swap3A] {strides = array<i32>} : memref<2304xf32, #tpu.memory_space<vmem>>, vector<16xf32>,
            %swap3A_197 = vector.shape_cast %swap3A_196 : vector<16xf32> to vector<16xf32>
            %swap3A_198 = vector.shape_cast %div3A_195 : vector<16xf32> to vector<16xf32>
            tpu.vector_store %run_scoped3A_18[%swap3A], %swap3A_198 {strides = array<i32>} : memref<2304xf32, #tpu.memory_space<vmem>>, vector<16xf32>,
            %div3A_199 = arith.divf %div3A_190, %add3A_194 : vector<16xf32>
            %swap3A_200 = arith.index_cast %add3A_180 : i32 to index
            %swap3A_201 = tpu.vector_load %run_scoped3A_19[%swap3A_200] {strides = array<i32>} : memref<2304xf32, #tpu.memory_space<vmem>>, vector<16xf32>,
            %swap3A_202 = vector.shape_cast %swap3A_201 : vector<16xf32> to vector<16xf32>
            %swap3A_203 = vector.shape_cast %div3A_199 : vector<16xf32> to vector<16xf32>
            tpu.vector_store %run_scoped3A_19[%swap3A_200], %swap3A_203 {strides = array<i32>} : memref<2304xf32, #tpu.memory_space<vmem>>, vector<16xf32>,
          }
          %scan3A_159 = arith.constant 144 : i32
          "tpu.trace_stop"() : () -> ()
          %or3A = arith.constant false
          %or3A_160 = arith.ori %or3A, %eq3A_128 : i1
          %add3A_161 = arith.constant 1 : i32
          %add3A_162 = arith.addi %while3A_119, %add3A_161 : i32
          %select_n3A_163 = arith.select %or3A_160, %add3A_162, %while3A_119 : i32
          %or3A_164 = arith.constant false
          %or3A_165 = arith.ori %or3A_164, %eq3A_128 : i1
          %add3A_166 = arith.constant 1 : i32
          %add3A_167 = arith.addi %while3A_120, %add3A_166 : i32
          %select_n3A_168 = arith.select %or3A_165, %add3A_167, %while3A_120 : i32
          %add3A_169 = arith.constant 1 : i32
          %add3A_170 = arith.addi %while3A_121, %add3A_169 : i32
          %select_n3A_171 = arith.constant true
          %select_n3A_172 = arith.select %select_n3A_171, %add3A_170, %while3A_121 : i32
          %eq3A_173 = arith.cmpi eq, %select_n3A_172, %select_n3A : i32
          %select_n3A_174 = arith.constant 0 : i32
          %select_n3A_175 = arith.select %eq3A_173, %select_n3A_174, %select_n3A_172 : i32
          scf.yield %select_n3A_163, %select_n3A_168, %select_n3A_175 : i32, i32, i32
        }
        %while3A_71 = arith.constant 1 : i32
        %while3A_72:3 = scf.for %while3A_118 = %while3A_68 to %while3A_64 step %while3A_71 iter_args(%while3A_119 = %while3A_70#0, %while3A_120 = %while3A_70#1, %while3A_121 = %while3A_70#2) -> (i32, i32, i32)  : i32 {
          %mul3A_122 = arith.constant 1 : i32
          %mul3A_123 = arith.muli %mul3A_122, %select_n3A : i32
          %eq3A_124 = arith.constant 0 : i32
          %eq3A_125 = arith.cmpi eq, %while3A_118, %eq3A_124 : i32
          %sub3A_126 = arith.constant 1 : i32
          %sub3A_127 = arith.subi %mul3A_123, %sub3A_126 : i32
          %eq3A_128 = arith.cmpi eq, %while3A_118, %sub3A_127 : i32
          %add3A_129 = arith.addi %while3A_121, %select_n3A_14 : i32
          %sub3A_130 = arith.constant 1 : i32
          %sub3A_131 = arith.subi %while3A_121, %sub3A_130 : i32
          %select_n3A_132 = arith.constant true
          %select_n3A_133 = arith.select %select_n3A_132, %sub3A_131, %while3A_121 : i32
          %eq3A_134 = arith.constant -1 : i32
          %eq3A_135 = arith.cmpi eq, %select_n3A_133, %eq3A_134 : i32
          %sub3A_136 = arith.constant 1 : i32
          %sub3A_137 = arith.subi %select_n3A, %sub3A_136 : i32
          %select_n3A_138 = arith.select %eq3A_135, %sub3A_137, %select_n3A_133 : i32
          %add3A_139 = arith.addi %select_n3A_138, %select_n3A_14 : i32
          %add3A_140 = arith.constant 1 : i32
          %add3A_141 = arith.addi %while3A_121, %add3A_140 : i32
          %select_n3A_142 = arith.constant true
          %select_n3A_143 = arith.select %select_n3A_142, %add3A_141, %while3A_121 : i32
          %eq3A_144 = arith.cmpi eq, %select_n3A_143, %select_n3A : i32
          %select_n3A_145 = arith.constant 0 : i32
          %select_n3A_146 = arith.select %eq3A_144, %select_n3A_145, %select_n3A_143 : i32
          %add3A_147 = arith.addi %select_n3A_146, %select_n3A_14 : i32
          %add3A_148 = arith.constant 1 : i32
          %add3A_149 = arith.addi %select_n3A_146, %add3A_148 : i32
          %select_n3A_150 = arith.constant true
          %select_n3A_151 = arith.select %select_n3A_150, %add3A_149, %select_n3A_146 : i32
          %eq3A_152 = arith.cmpi eq, %select_n3A_151, %select_n3A : i32
          %select_n3A_153 = arith.constant 0 : i32
          %select_n3A_154 = arith.select %eq3A_152, %select_n3A_153, %select_n3A_151 : i32
          %add3A_155 = arith.addi %select_n3A_154, %select_n3A_14 : i32
          "tpu.trace_start"() <{level = 10 : i32, message = "ep_run_kernel"}> : () -> ()
          %scan3A = arith.constant 0 : i32
          %scan3A_156 = arith.constant 144 : i32
          %scan3A_157 = arith.addi %scan3A, %scan3A_156 : i32
          %scan3A_158 = arith.constant 1 : i32
          scf.for %scan3A_176 = %scan3A to %scan3A_157 step %scan3A_158  : i32 {
            %mul3A_177 = arith.constant 16 : i32
            %mul3A_178 = arith.muli %scan3A_176, %mul3A_177 : i32
            %add3A_179 = arith.constant 0 : i32
            %add3A_180 = arith.addi %add3A_179, %mul3A_178 : i32
            %get3A = arith.index_cast %add3A_180 : i32 to index
            %get3A_181 = tpu.vector_load %run_scoped3A[%get3A] {strides = array<i32>} : memref<2304xf32, #tpu.memory_space<vmem>>, vector<16xf32>,
            %get3A_182 = vector.shape_cast %get3A_181 : vector<16xf32> to vector<16xf32>
            %get3A_183 = arith.index_cast %add3A_180 : i32 to index
            %get3A_184 = tpu.vector_load %run_scoped3A_17[%get3A_183] {strides = array<i32>} : memref<2304xf32, #tpu.memory_space<vmem>>, vector<16xf32>,
            %get3A_185 = vector.shape_cast %get3A_184 : vector<16xf32> to vector<16xf32>
            %max3A = arith.maximumf %get3A_182, %get3A_185 : vector<16xf32>
            %sub3A_186 = arith.subf %get3A_182, %max3A : vector<16xf32>
            %exp3A = math.exp %sub3A_186 : vector<16xf32>
            %sub3A_187 = arith.subf %get3A_185, %max3A : vector<16xf32>
            %exp3A_188 = math.exp %sub3A_187 : vector<16xf32>
            %add3A_189 = arith.addf %exp3A, %exp3A_188 : vector<16xf32>
            %div3A = arith.divf %exp3A, %add3A_189 : vector<16xf32>
            %div3A_190 = arith.divf %exp3A_188, %add3A_189 : vector<16xf32>
            %add3A_191 = arith.addf %div3A, %div3A_190 : vector<16xf32>
            %add3A_192 = arith.constant 9.99999997E-7 : f32
            %add3A_193 = vector.broadcast %add3A_192 : f32 to vector<16xf32>
            %add3A_194 = arith.addf %add3A_191, %add3A_193 : vector<16xf32>
            %div3A_195 = arith.divf %div3A, %add3A_194 : vector<16xf32>
            %swap3A = arith.index_cast %add3A_180 : i32 to index
            %swap3A_196 = tpu.vector_load %run_scoped3A_18[%swap3A] {strides = array<i32>} : memref<2304xf32, #tpu.memory_space<vmem>>, vector<16xf32>,
            %swap3A_197 = vector.shape_cast %swap3A_196 : vector<16xf32> to vector<16xf32>
            %swap3A_198 = vector.shape_cast %div3A_195 : vector<16xf32> to vector<16xf32>
            tpu.vector_store %run_scoped3A_18[%swap3A], %swap3A_198 {strides = array<i32>} : memref<2304xf32, #tpu.memory_space<vmem>>, vector<16xf32>,
            %div3A_199 = arith.divf %div3A_190, %add3A_194 : vector<16xf32>
            %swap3A_200 = arith.index_cast %add3A_180 : i32 to index
            %swap3A_201 = tpu.vector_load %run_scoped3A_19[%swap3A_200] {strides = array<i32>} : memref<2304xf32, #tpu.memory_space<vmem>>, vector<16xf32>,
            %swap3A_202 = vector.shape_cast %swap3A_201 : vector<16xf32> to vector<16xf32>
            %swap3A_203 = vector.shape_cast %div3A_199 : vector<16xf32> to vector<16xf32>
            tpu.vector_store %run_scoped3A_19[%swap3A_200], %swap3A_203 {strides = array<i32>} : memref<2304xf32, #tpu.memory_space<vmem>>, vector<16xf32>,
          }
          %scan3A_159 = arith.constant 144 : i32
          "tpu.trace_stop"() : () -> ()
          %or3A = arith.constant false
          %or3A_160 = arith.ori %or3A, %eq3A_128 : i1
          %add3A_161 = arith.constant 1 : i32
          %add3A_162 = arith.addi %while3A_119, %add3A_161 : i32
          %select_n3A_163 = arith.select %or3A_160, %add3A_162, %while3A_119 : i32
          %or3A_164 = arith.constant false
          %or3A_165 = arith.ori %or3A_164, %eq3A_128 : i1
          %add3A_166 = arith.constant 1 : i32
          %add3A_167 = arith.addi %while3A_120, %add3A_166 : i32
          %select_n3A_168 = arith.select %or3A_165, %add3A_167, %while3A_120 : i32
          %add3A_169 = arith.constant 1 : i32
          %add3A_170 = arith.addi %while3A_121, %add3A_169 : i32
          %select_n3A_171 = arith.constant true
          %select_n3A_172 = arith.select %select_n3A_171, %add3A_170, %while3A_121 : i32
          %eq3A_173 = arith.cmpi eq, %select_n3A_172, %select_n3A : i32
          %select_n3A_174 = arith.constant 0 : i32
          %select_n3A_175 = arith.select %eq3A_173, %select_n3A_174, %select_n3A_172 : i32
          scf.yield %select_n3A_163, %select_n3A_168, %select_n3A_175 : i32, i32, i32
        }
        %sub3A_73 = arith.constant 1 : i32
        %sub3A_74 = arith.subi %while3A_72#2, %sub3A_73 : i32
        %select_n3A_75 = arith.constant true
        %select_n3A_76 = arith.select %select_n3A_75, %sub3A_74, %while3A_72#2 : i32
        %eq3A_77 = arith.constant -1 : i32
        %eq3A_78 = arith.cmpi eq, %select_n3A_76, %eq3A_77 : i32
        %sub3A_79 = arith.constant 1 : i32
        %sub3A_80 = arith.subi %select_n3A, %sub3A_79 : i32
        %select_n3A_81 = arith.select %eq3A_78, %sub3A_80, %select_n3A_76 : i32
        %sub3A_82 = arith.constant 1 : i32
        %sub3A_83 = arith.subi %mul3A_16, %sub3A_82 : i32
        %mul3A_84 = arith.constant 1 : i32
        %mul3A_85 = arith.muli %mul3A_84, %select_n3A : i32
        %eq3A_86 = arith.constant 0 : i32
        %eq3A_87 = arith.cmpi eq, %sub3A_83, %eq3A_86 : i32
        %sub3A_88 = arith.constant 1 : i32
        %sub3A_89 = arith.subi %mul3A_85, %sub3A_88 : i32
        %eq3A_90 = arith.cmpi eq, %sub3A_83, %sub3A_89 : i32
        %add3A_91 = arith.addi %select_n3A_81, %select_n3A_14 : i32
        %sub3A_92 = arith.constant 1 : i32
        %sub3A_93 = arith.subi %select_n3A_81, %sub3A_92 : i32
        %select_n3A_94 = arith.constant true
        %select_n3A_95 = arith.select %select_n3A_94, %sub3A_93, %select_n3A_81 : i32
        %eq3A_96 = arith.constant -1 : i32
        %eq3A_97 = arith.cmpi eq, %select_n3A_95, %eq3A_96 : i32
        %sub3A_98 = arith.constant 1 : i32
        %sub3A_99 = arith.subi %select_n3A, %sub3A_98 : i32
        %select_n3A_100 = arith.select %eq3A_97, %sub3A_99, %select_n3A_95 : i32
        %add3A_101 = arith.addi %select_n3A_100, %select_n3A_14 : i32
        %add3A_102 = arith.constant 1 : i32
        %add3A_103 = arith.addi %select_n3A_81, %add3A_102 : i32
        %select_n3A_104 = arith.constant true
        %select_n3A_105 = arith.select %select_n3A_104, %add3A_103, %select_n3A_81 : i32
        %eq3A_106 = arith.cmpi eq, %select_n3A_105, %select_n3A : i32
        %select_n3A_107 = arith.constant 0 : i32
        %select_n3A_108 = arith.select %eq3A_106, %select_n3A_107, %select_n3A_105 : i32
        %add3A_109 = arith.addi %select_n3A_108, %select_n3A_14 : i32
        %add3A_110 = arith.constant 1 : i32
        %add3A_111 = arith.addi %select_n3A_108, %add3A_110 : i32
        %select_n3A_112 = arith.constant true
        %select_n3A_113 = arith.select %select_n3A_112, %add3A_111, %select_n3A_108 : i32
        %eq3A_114 = arith.cmpi eq, %select_n3A_113, %select_n3A : i32
        %select_n3A_115 = arith.constant 0 : i32
        %select_n3A_116 = arith.select %eq3A_114, %select_n3A_115, %select_n3A_113 : i32
        %add3A_117 = arith.addi %select_n3A_116, %select_n3A_14 : i32
        "tpu.region"() ({
          %run_scoped3A_118 = tpu.sem_alloc : memref<!tpu.dma_semaphore, #tpu.memory_space<semaphore_mem>>
          tpu.enqueue_dma source(%run_scoped3A_18 : memref<2304xf32, #tpu.memory_space<vmem>>) target(%arg4 : memref<2304xf32, #tpu.memory_space<hbm>>) target_semaphore(%run_scoped3A_118 : memref<!tpu.dma_semaphore, #tpu.memory_space<semaphore_mem>>)
          tpu.wait_dma2 semaphore(%run_scoped3A_118 : memref<!tpu.dma_semaphore, #tpu.memory_space<semaphore_mem>>) src(%run_scoped3A_18 : memref<2304xf32, #tpu.memory_space<vmem>>) dst(%arg4 : memref<2304xf32, #tpu.memory_space<hbm>>)
          tpu.yield
        }) : () -> ()
        "tpu.region"() ({
          %run_scoped3A_118 = tpu.sem_alloc : memref<!tpu.dma_semaphore, #tpu.memory_space<semaphore_mem>>
          tpu.enqueue_dma source(%run_scoped3A_19 : memref<2304xf32, #tpu.memory_space<vmem>>) target(%arg5 : memref<2304xf32, #tpu.memory_space<hbm>>) target_semaphore(%run_scoped3A_118 : memref<!tpu.dma_semaphore, #tpu.memory_space<semaphore_mem>>)
          tpu.wait_dma2 semaphore(%run_scoped3A_118 : memref<!tpu.dma_semaphore, #tpu.memory_space<semaphore_mem>>) src(%run_scoped3A_19 : memref<2304xf32, #tpu.memory_space<vmem>>) dst(%arg5 : memref<2304xf32, #tpu.memory_space<hbm>>)
          tpu.yield
        }) : () -> ()
      } else {
      }
      tpu.yield
    }) : () -> ()
    return
  }
}

module attributes {stable_mosaic.version = 14 : i64} {
  func.func @_q_kernel(%arg0: i32, %arg1: memref<576x1024xf32, #tpu.memory_space<vmem>>, %arg2: memref<576x1024xf32, #tpu.memory_space<vmem>>, %arg3: memref<1x1024xf32, #tpu.memory_space<vmem>>, %arg4: memref<1x1024xf32, #tpu.memory_space<vmem>>, %arg5: memref<1024x1024xf32, #tpu.memory_space<vmem>>, %arg6: memref<1x1024xf32, #tpu.memory_space<vmem>>, %arg7: memref<2304x1024xf32, #tpu.memory_space<vmem>>, %arg8: memref<2x1024xf32, #tpu.memory_space<vmem>>, %arg9: memref<576x1024xf32, #tpu.memory_space<vmem>>, %arg10: memref<2304xf32, #tpu.memory_space<vmem>>, %arg11: memref<2304xf32, #tpu.memory_space<vmem>>) attributes {dimension_semantics = [#tpu.dimension_semantics<arbitrary>], iteration_bounds = array<i64: 1>, scalar_prefetch = 0 : i64, scratch_operands = 0 : i64, tpu.core_type = #tpu.core_type<tc>, window_params = [{pipeline_mode = #tpu.pipeline_mode<synchronous>, transform_indices = @transform_0, window_bounds = array<i64: 576, 1024>}, {pipeline_mode = #tpu.pipeline_mode<synchronous>, transform_indices = @transform_1, window_bounds = array<i64: 576, 1024>}, {pipeline_mode = #tpu.pipeline_mode<synchronous>, transform_indices = @transform_2, window_bounds = array<i64: 1, 1024>}, {pipeline_mode = #tpu.pipeline_mode<synchronous>, transform_indices = @transform_3, window_bounds = array<i64: 1, 1024>}, {transform_indices = @transform_4, window_bounds = array<i64: 1024, 1024>}, {pipeline_mode = #tpu.pipeline_mode<synchronous>, transform_indices = @transform_5, window_bounds = array<i64: 1, 1024>}, {pipeline_mode = #tpu.pipeline_mode<synchronous>, transform_indices = @transform_6, window_bounds = array<i64: 2304, 1024>}, {pipeline_mode = #tpu.pipeline_mode<synchronous>, transform_indices = @transform_7, window_bounds = array<i64: 2, 1024>}, {pipeline_mode = #tpu.pipeline_mode<synchronous>, transform_indices = @transform_8, window_bounds = array<i64: 576, 1024>}, {pipeline_mode = #tpu.pipeline_mode<synchronous>, transform_indices = @transform_9, window_bounds = array<i64: 2304>}, {pipeline_mode = #tpu.pipeline_mode<synchronous>, transform_indices = @transform_10, window_bounds = array<i64: 2304>}]} {
    %get3A = arith.constant 0 : index
    %get3A_0 = arith.constant 0 : index
    %get3A_1 = vector.load %arg1[%get3A, %get3A_0] : memref<576x1024xf32, #tpu.memory_space<vmem>>, vector<576x1024xf32>
    %get3A_2 = arith.constant 0 : index
    %get3A_3 = arith.constant 0 : index
    %get3A_4 = vector.load %arg3[%get3A_2, %get3A_3] : memref<1x1024xf32, #tpu.memory_space<vmem>>, vector<1x1024xf32>
    %get3A_5 = arith.constant 0 : index
    %get3A_6 = arith.constant 0 : index
    %get3A_7 = vector.load %arg4[%get3A_5, %get3A_6] : memref<1x1024xf32, #tpu.memory_space<vmem>>, vector<1x1024xf32>
    %reduce_sum3A = arith.constant dense<0.000000e+00> : vector<576xf32>
    %reduce_sum3A_8 = vector.multi_reduction <add>, %get3A_1, %reduce_sum3A [1] : vector<576x1024xf32> to vector<576xf32>
    %broadcast_in_dim3A = vector.shape_cast %reduce_sum3A_8 : vector<576xf32> to vector<576x1xf32>
    %div3A = arith.constant 1.024000e+03 : f32
    %div3A_9 = vector.broadcast %div3A : f32 to vector<576x1xf32>
    %div3A_10 = arith.divf %broadcast_in_dim3A, %div3A_9 : vector<576x1xf32>
    %sub3A = vector.broadcast %div3A_10 : vector<576x1xf32> to vector<576x1024xf32>
    %sub3A_11 = arith.subf %get3A_1, %sub3A : vector<576x1024xf32>
    %integer_pow3A = arith.mulf %sub3A_11, %sub3A_11 : vector<576x1024xf32>
    %reduce_sum3A_12 = arith.constant dense<0.000000e+00> : vector<576xf32>
    %reduce_sum3A_13 = vector.multi_reduction <add>, %integer_pow3A, %reduce_sum3A_12 [1] : vector<576x1024xf32> to vector<576xf32>
    %broadcast_in_dim3A_14 = vector.shape_cast %reduce_sum3A_13 : vector<576xf32> to vector<576x1xf32>
    %div3A_15 = arith.constant 1.024000e+03 : f32
    %div3A_16 = vector.broadcast %div3A_15 : f32 to vector<576x1xf32>
    %div3A_17 = arith.divf %broadcast_in_dim3A_14, %div3A_16 : vector<576x1xf32>
    %sub3A_18 = vector.broadcast %div3A_10 : vector<576x1xf32> to vector<576x1024xf32>
    %sub3A_19 = arith.subf %get3A_1, %sub3A_18 : vector<576x1024xf32>
    %add3A = arith.constant 9.99999974E-6 : f32
    %add3A_20 = vector.broadcast %add3A : f32 to vector<576x1xf32>
    %add3A_21 = arith.addf %div3A_17, %add3A_20 : vector<576x1xf32>
    %rsqrt3A = math.rsqrt %add3A_21 : vector<576x1xf32>
    %mul3A = vector.broadcast %rsqrt3A : vector<576x1xf32> to vector<576x1024xf32>
    %mul3A_22 = arith.mulf %sub3A_19, %mul3A : vector<576x1024xf32>
    %mul3A_23 = vector.broadcast %get3A_4 : vector<1x1024xf32> to vector<576x1024xf32>
    %mul3A_24 = arith.mulf %mul3A_22, %mul3A_23 : vector<576x1024xf32>
    %add3A_25 = vector.broadcast %get3A_7 : vector<1x1024xf32> to vector<576x1024xf32>
    %add3A_26 = arith.addf %mul3A_24, %add3A_25 : vector<576x1024xf32>
    %get3A_27 = arith.constant 0 : index
    %get3A_28 = arith.constant 0 : index
    %get3A_29 = vector.load %arg2[%get3A_27, %get3A_28] : memref<576x1024xf32, #tpu.memory_space<vmem>>, vector<576x1024xf32>
    %add3A_30 = arith.addf %add3A_26, %get3A_29 : vector<576x1024xf32>
    %get3A_31 = arith.constant 0 : index
    %get3A_32 = arith.constant 0 : index
    %get3A_33 = vector.load %arg5[%get3A_31, %get3A_32] : memref<1024x1024xf32, #tpu.memory_space<vmem>>, vector<1024x1024xf32>
    %dot_general3A = arith.constant dense<0.000000e+00> : vector<576x1024xf32>
    %dot_general3A_34 = tpu.matmul %add3A_30, %get3A_33, %dot_general3A {dimension_numbers = #tpu.dot_dimension_numbers<[1], [1], [0], [0], [0, 0, 1, 0], [], []>, transpose_lhs_hint = false} : vector<576x1024xf32>, vector<1024x1024xf32>, vector<576x1024xf32> -> vector<576x1024xf32>
    %get3A_35 = arith.constant 0 : index
    %get3A_36 = arith.constant 0 : index
    %get3A_37 = vector.load %arg6[%get3A_35, %get3A_36] : memref<1x1024xf32, #tpu.memory_space<vmem>>, vector<1x1024xf32>
    %add3A_38 = vector.broadcast %get3A_37 : vector<1x1024xf32> to vector<576x1024xf32>
    %add3A_39 = arith.addf %dot_general3A_34, %add3A_38 : vector<576x1024xf32>
    %swap3A = arith.constant 0 : index
    %swap3A_40 = arith.constant 0 : index
    %swap3A_41 = vector.load %arg9[%swap3A, %swap3A_40] : memref<576x1024xf32, #tpu.memory_space<vmem>>, vector<576x1024xf32>
    tpu.vector_store %arg9[%swap3A, %swap3A_40], %add3A_39 {strides = array<i32>} : memref<576x1024xf32, #tpu.memory_space<vmem>>, vector<576x1024xf32>,
    %get3A_42 = arith.constant 0 : index
    %get3A_43 = arith.constant 0 : index
    %get3A_44 = vector.load %arg7[%get3A_42, %get3A_43] : memref<2304x1024xf32, #tpu.memory_space<vmem>>, vector<2304x1024xf32>
    %get3A_45 = arith.constant 0 : index
    %get3A_46 = arith.constant 0 : index
    %get3A_47 = vector.load %arg8[%get3A_45, %get3A_46] : memref<2x1024xf32, #tpu.memory_space<vmem>>, vector<2x1024xf32>
    %slice3A = vector.extract_strided_slice %get3A_47 {offsets = [0, 0], sizes = [1, 1024], strides = [1, 1]} : vector<2x1024xf32> to vector<1x1024xf32>
    %mul3A_48 = vector.broadcast %slice3A : vector<1x1024xf32> to vector<2304x1024xf32>
    %mul3A_49 = arith.mulf %get3A_44, %mul3A_48 : vector<2304x1024xf32>
    %reduce_sum3A_50 = arith.constant dense<0.000000e+00> : vector<2304xf32>
    %reduce_sum3A_51 = vector.multi_reduction <add>, %mul3A_49, %reduce_sum3A_50 [1] : vector<2304x1024xf32> to vector<2304xf32>
    %broadcast_in_dim3A_52 = vector.shape_cast %reduce_sum3A_51 : vector<2304xf32> to vector<2304x1xf32>
    %slice3A_53 = vector.extract_strided_slice %get3A_47 {offsets = [1, 0], sizes = [1, 1024], strides = [1, 1]} : vector<2x1024xf32> to vector<1x1024xf32>
    %mul3A_54 = vector.broadcast %slice3A_53 : vector<1x1024xf32> to vector<2304x1024xf32>
    %mul3A_55 = arith.mulf %get3A_44, %mul3A_54 : vector<2304x1024xf32>
    %reduce_sum3A_56 = arith.constant dense<0.000000e+00> : vector<2304xf32>
    %reduce_sum3A_57 = vector.multi_reduction <add>, %mul3A_55, %reduce_sum3A_56 [1] : vector<2304x1024xf32> to vector<2304xf32>
    %broadcast_in_dim3A_58 = vector.shape_cast %reduce_sum3A_57 : vector<2304xf32> to vector<2304x1xf32>
    %reshape3A = vector.shape_cast %broadcast_in_dim3A_52 : vector<2304x1xf32> to vector<2304xf32>
    %swap3A_59 = arith.constant 0 : index
    %swap3A_60 = vector.load %arg10[%swap3A_59] : memref<2304xf32, #tpu.memory_space<vmem>>, vector<2304xf32>
    tpu.vector_store %arg10[%swap3A_59], %reshape3A {strides = array<i32>} : memref<2304xf32, #tpu.memory_space<vmem>>, vector<2304xf32>,
    %reshape3A_61 = vector.shape_cast %broadcast_in_dim3A_58 : vector<2304x1xf32> to vector<2304xf32>
    %swap3A_62 = arith.constant 0 : index
    %swap3A_63 = vector.load %arg11[%swap3A_62] : memref<2304xf32, #tpu.memory_space<vmem>>, vector<2304xf32>
    tpu.vector_store %arg11[%swap3A_62], %reshape3A_61 {strides = array<i32>} : memref<2304xf32, #tpu.memory_space<vmem>>, vector<2304xf32>,
    return
  }
  func.func @transform_0(%arg0: i32) -> (i32, i32) {
    %c0_i32 = arith.constant 0 : i32
    %c0_i32_0 = arith.constant 0 : i32
    %c0_i32_1 = arith.constant 0 : i32
    return %c0_i32, %c0_i32_0 : i32, i32
  }
  func.func @transform_1(%arg0: i32) -> (i32, i32) {
    %c0_i32 = arith.constant 0 : i32
    %c0_i32_0 = arith.constant 0 : i32
    %c0_i32_1 = arith.constant 0 : i32
    return %c0_i32, %c0_i32_0 : i32, i32
  }
  func.func @transform_2(%arg0: i32) -> (i32, i32) {
    %c0_i32 = arith.constant 0 : i32
    %c0_i32_0 = arith.constant 0 : i32
    %c0_i32_1 = arith.constant 0 : i32
    return %c0_i32, %c0_i32_0 : i32, i32
  }
  func.func @transform_3(%arg0: i32) -> (i32, i32) {
    %c0_i32 = arith.constant 0 : i32
    %c0_i32_0 = arith.constant 0 : i32
    %c0_i32_1 = arith.constant 0 : i32
    return %c0_i32, %c0_i32_0 : i32, i32
  }
  func.func @transform_4(%arg0: i32) -> (i32, i32) {
    %c0_i32 = arith.constant 0 : i32
    %c0_i32_0 = arith.constant 0 : i32
    %c0_i32_1 = arith.constant 0 : i32
    return %c0_i32, %c0_i32_0 : i32, i32
  }
  func.func @transform_5(%arg0: i32) -> (i32, i32) {
    %c0_i32 = arith.constant 0 : i32
    %c0_i32_0 = arith.constant 0 : i32
    %c0_i32_1 = arith.constant 0 : i32
    return %c0_i32, %c0_i32_0 : i32, i32
  }
  func.func @transform_6(%arg0: i32) -> (i32, i32) {
    %c0_i32 = arith.constant 0 : i32
    %c0_i32_0 = arith.constant 0 : i32
    %c0_i32_1 = arith.constant 0 : i32
    return %c0_i32, %c0_i32_0 : i32, i32
  }
  func.func @transform_7(%arg0: i32) -> (i32, i32) {
    %c0_i32 = arith.constant 0 : i32
    %c0_i32_0 = arith.constant 0 : i32
    %c0_i32_1 = arith.constant 0 : i32
    return %c0_i32, %c0_i32_0 : i32, i32
  }
  func.func @transform_8(%arg0: i32) -> (i32, i32) {
    %c0_i32 = arith.constant 0 : i32
    %c0_i32_0 = arith.constant 0 : i32
    %c0_i32_1 = arith.constant 0 : i32
    return %c0_i32, %c0_i32_0 : i32, i32
  }
  func.func @transform_9(%arg0: i32) -> i32 {
    %c0_i32 = arith.constant 0 : i32
    %c0_i32_0 = arith.constant 0 : i32
    return %c0_i32 : i32
  }
  func.func @transform_10(%arg0: i32) -> i32 {
    %c0_i32 = arith.constant 0 : i32
    %c0_i32_0 = arith.constant 0 : i32
    return %c0_i32 : i32
  }
}

module attributes {stable_mosaic.version = 14 : i64} {
  func.func @_resampler_kernel(%arg0: i32, %arg1: memref<576x1024xf32, #tpu.memory_space<vmem>>, %arg2: memref<576x1024xf32, #tpu.memory_space<vmem>>, %arg3: memref<576x1024xf32, #tpu.memory_space<vmem>>, %arg4: memref<1x1024xf32, #tpu.memory_space<vmem>>, %arg5: memref<1x1024xf32, #tpu.memory_space<vmem>>, %arg6: memref<1024x1024xf32, #tpu.memory_space<vmem>>, %arg7: memref<1024x1024xf32, #tpu.memory_space<vmem>>, %arg8: memref<1x1024xf32, #tpu.memory_space<vmem>>, %arg9: memref<1x1024xf32, #tpu.memory_space<vmem>>, %arg10: memref<1024x1024xf32, #tpu.memory_space<vmem>>, %arg11: memref<1x1024xf32, #tpu.memory_space<vmem>>, %arg12: memref<576x1024xbf16, #tpu.memory_space<vmem>>) attributes {dimension_semantics = [#tpu.dimension_semantics<parallel>], iteration_bounds = array<i64: 4>, scalar_prefetch = 0 : i64, scratch_operands = 0 : i64, tpu.core_type = #tpu.core_type<tc>, window_params = [{pipeline_mode = #tpu.pipeline_mode<synchronous>, transform_indices = @transform_0, window_bounds = array<i64: 576, 1024>}, {transform_indices = @transform_1, window_bounds = array<i64: 576, 1024>}, {pipeline_mode = #tpu.pipeline_mode<synchronous>, transform_indices = @transform_2, window_bounds = array<i64: 576, 1024>}, {pipeline_mode = #tpu.pipeline_mode<synchronous>, transform_indices = @transform_3, window_bounds = array<i64: 1, 1024>}, {pipeline_mode = #tpu.pipeline_mode<synchronous>, transform_indices = @transform_4, window_bounds = array<i64: 1, 1024>}, {transform_indices = @transform_5, window_bounds = array<i64: 1024, 1024>}, {transform_indices = @transform_6, window_bounds = array<i64: 1024, 1024>}, {pipeline_mode = #tpu.pipeline_mode<synchronous>, transform_indices = @transform_7, window_bounds = array<i64: 1, 1024>}, {pipeline_mode = #tpu.pipeline_mode<synchronous>, transform_indices = @transform_8, window_bounds = array<i64: 1, 1024>}, {pipeline_mode = #tpu.pipeline_mode<synchronous>, transform_indices = @transform_9, window_bounds = array<i64: 1024, 1024>}, {pipeline_mode = #tpu.pipeline_mode<synchronous>, transform_indices = @transform_10, window_bounds = array<i64: 1, 1024>}, {transform_indices = @transform_11, window_bounds = array<i64: 576, 1024>}]} {
    %get3A = arith.constant 0 : index
    %get3A_0 = arith.constant 0 : index
    %get3A_1 = vector.load %arg2[%get3A, %get3A_0] : memref<576x1024xf32, #tpu.memory_space<vmem>>, vector<576x1024xf32>
    %get3A_2 = arith.constant 0 : index
    %get3A_3 = arith.constant 0 : index
    %get3A_4 = vector.load %arg4[%get3A_2, %get3A_3] : memref<1x1024xf32, #tpu.memory_space<vmem>>, vector<1x1024xf32>
    %get3A_5 = arith.constant 0 : index
    %get3A_6 = arith.constant 0 : index
    %get3A_7 = vector.load %arg5[%get3A_5, %get3A_6] : memref<1x1024xf32, #tpu.memory_space<vmem>>, vector<1x1024xf32>
    %reduce_sum3A = arith.constant dense<0.000000e+00> : vector<576xf32>
    %reduce_sum3A_8 = vector.multi_reduction <add>, %get3A_1, %reduce_sum3A [1] : vector<576x1024xf32> to vector<576xf32>
    %broadcast_in_dim3A = vector.shape_cast %reduce_sum3A_8 : vector<576xf32> to vector<576x1xf32>
    %div3A = arith.constant 1.024000e+03 : f32
    %div3A_9 = vector.broadcast %div3A : f32 to vector<576x1xf32>
    %div3A_10 = arith.divf %broadcast_in_dim3A, %div3A_9 : vector<576x1xf32>
    %sub3A = vector.broadcast %div3A_10 : vector<576x1xf32> to vector<576x1024xf32>
    %sub3A_11 = arith.subf %get3A_1, %sub3A : vector<576x1024xf32>
    %integer_pow3A = arith.mulf %sub3A_11, %sub3A_11 : vector<576x1024xf32>
    %reduce_sum3A_12 = arith.constant dense<0.000000e+00> : vector<576xf32>
    %reduce_sum3A_13 = vector.multi_reduction <add>, %integer_pow3A, %reduce_sum3A_12 [1] : vector<576x1024xf32> to vector<576xf32>
    %broadcast_in_dim3A_14 = vector.shape_cast %reduce_sum3A_13 : vector<576xf32> to vector<576x1xf32>
    %div3A_15 = arith.constant 1.024000e+03 : f32
    %div3A_16 = vector.broadcast %div3A_15 : f32 to vector<576x1xf32>
    %div3A_17 = arith.divf %broadcast_in_dim3A_14, %div3A_16 : vector<576x1xf32>
    %sub3A_18 = vector.broadcast %div3A_10 : vector<576x1xf32> to vector<576x1024xf32>
    %sub3A_19 = arith.subf %get3A_1, %sub3A_18 : vector<576x1024xf32>
    %add3A = arith.constant 9.99999974E-6 : f32
    %add3A_20 = vector.broadcast %add3A : f32 to vector<576x1xf32>
    %add3A_21 = arith.addf %div3A_17, %add3A_20 : vector<576x1xf32>
    %rsqrt3A = math.rsqrt %add3A_21 : vector<576x1xf32>
    %mul3A = vector.broadcast %rsqrt3A : vector<576x1xf32> to vector<576x1024xf32>
    %mul3A_22 = arith.mulf %sub3A_19, %mul3A : vector<576x1024xf32>
    %mul3A_23 = vector.broadcast %get3A_4 : vector<1x1024xf32> to vector<576x1024xf32>
    %mul3A_24 = arith.mulf %mul3A_22, %mul3A_23 : vector<576x1024xf32>
    %add3A_25 = vector.broadcast %get3A_7 : vector<1x1024xf32> to vector<576x1024xf32>
    %add3A_26 = arith.addf %mul3A_24, %add3A_25 : vector<576x1024xf32>
    %get3A_27 = arith.constant 0 : index
    %get3A_28 = arith.constant 0 : index
    %get3A_29 = vector.load %arg3[%get3A_27, %get3A_28] : memref<576x1024xf32, #tpu.memory_space<vmem>>, vector<576x1024xf32>
    %add3A_30 = arith.addf %add3A_26, %get3A_29 : vector<576x1024xf32>
    %get3A_31 = arith.constant 0 : index
    %get3A_32 = arith.constant 0 : index
    %get3A_33 = vector.load %arg6[%get3A_31, %get3A_32] : memref<1024x1024xf32, #tpu.memory_space<vmem>>, vector<1024x1024xf32>
    %dot_general3A = arith.constant dense<0.000000e+00> : vector<576x1024xf32>
    %dot_general3A_34 = tpu.matmul %add3A_30, %get3A_33, %dot_general3A {dimension_numbers = #tpu.dot_dimension_numbers<[1], [1], [0], [0], [0, 0, 1, 0], [], []>, transpose_lhs_hint = false} : vector<576x1024xf32>, vector<1024x1024xf32>, vector<576x1024xf32> -> vector<576x1024xf32>
    %get3A_35 = arith.constant 0 : index
    %get3A_36 = arith.constant 0 : index
    %get3A_37 = vector.load %arg8[%get3A_35, %get3A_36] : memref<1x1024xf32, #tpu.memory_space<vmem>>, vector<1x1024xf32>
    %add3A_38 = vector.broadcast %get3A_37 : vector<1x1024xf32> to vector<576x1024xf32>
    %add3A_39 = arith.addf %dot_general3A_34, %add3A_38 : vector<576x1024xf32>
    %get3A_40 = arith.constant 0 : index
    %get3A_41 = arith.constant 0 : index
    %get3A_42 = vector.load %arg7[%get3A_40, %get3A_41] : memref<1024x1024xf32, #tpu.memory_space<vmem>>, vector<1024x1024xf32>
    %dot_general3A_43 = arith.constant dense<0.000000e+00> : vector<576x1024xf32>
    %dot_general3A_44 = tpu.matmul %add3A_26, %get3A_42, %dot_general3A_43 {dimension_numbers = #tpu.dot_dimension_numbers<[1], [1], [0], [0], [0, 0, 1, 0], [], []>, transpose_lhs_hint = false} : vector<576x1024xf32>, vector<1024x1024xf32>, vector<576x1024xf32> -> vector<576x1024xf32>
    %get3A_45 = arith.constant 0 : index
    %get3A_46 = arith.constant 0 : index
    %get3A_47 = vector.load %arg9[%get3A_45, %get3A_46] : memref<1x1024xf32, #tpu.memory_space<vmem>>, vector<1x1024xf32>
    %add3A_48 = vector.broadcast %get3A_47 : vector<1x1024xf32> to vector<576x1024xf32>
    %add3A_49 = arith.addf %dot_general3A_44, %add3A_48 : vector<576x1024xf32>
    %get3A_50 = arith.constant 0 : index
    %get3A_51 = arith.constant 0 : index
    %get3A_52 = vector.load %arg1[%get3A_50, %get3A_51] : memref<576x1024xf32, #tpu.memory_space<vmem>>, vector<576x1024xf32>
    %slice3A = vector.extract_strided_slice %get3A_52 {offsets = [0, 0], sizes = [576, 128], strides = [1, 1]} : vector<576x1024xf32> to vector<576x128xf32>
    %slice3A_53 = vector.extract_strided_slice %add3A_39 {offsets = [0, 0], sizes = [576, 128], strides = [1, 1]} : vector<576x1024xf32> to vector<576x128xf32>
    %dot_general3A_54 = arith.constant dense<0.000000e+00> : vector<576x576xf32>
    %dot_general3A_55 = tpu.matmul %slice3A, %slice3A_53, %dot_general3A_54 {dimension_numbers = #tpu.dot_dimension_numbers<[1], [1], [0], [0], [0, 0, 1, 0], [], []>, transpose_lhs_hint = false} : vector<576x128xf32>, vector<576x128xf32>, vector<576x576xf32> -> vector<576x576xf32>
    %mul3A_56 = arith.constant 0.0883883461 : f32
    %mul3A_57 = vector.broadcast %mul3A_56 : f32 to vector<576x576xf32>
    %mul3A_58 = arith.mulf %dot_general3A_55, %mul3A_57 : vector<576x576xf32>
    %reduce_max3A = arith.constant dense<0xFF800000> : vector<576xf32>
    %reduce_max3A_59 = vector.multi_reduction <maximumf>, %mul3A_58, %reduce_max3A [1] : vector<576x576xf32> to vector<576xf32>
    %broadcast_in_dim3A_60 = vector.shape_cast %reduce_max3A_59 : vector<576xf32> to vector<576x1xf32>
    %sub3A_61 = vector.broadcast %broadcast_in_dim3A_60 : vector<576x1xf32> to vector<576x576xf32>
    %sub3A_62 = arith.subf %mul3A_58, %sub3A_61 : vector<576x576xf32>
    %exp3A = math.exp %sub3A_62 : vector<576x576xf32>
    %reduce_sum3A_63 = arith.constant dense<0.000000e+00> : vector<576xf32>
    %reduce_sum3A_64 = vector.multi_reduction <add>, %exp3A, %reduce_sum3A_63 [1] : vector<576x576xf32> to vector<576xf32>
    %broadcast_in_dim3A_65 = vector.shape_cast %reduce_sum3A_64 : vector<576xf32> to vector<576x1xf32>
    %div3A_66 = arith.constant 1.000000e+00 : f32
    %div3A_67 = vector.broadcast %div3A_66 : f32 to vector<576x1xf32>
    %div3A_68 = arith.divf %div3A_67, %broadcast_in_dim3A_65 : vector<576x1xf32>
    %mul3A_69 = vector.broadcast %div3A_68 : vector<576x1xf32> to vector<576x576xf32>
    %mul3A_70 = arith.mulf %exp3A, %mul3A_69 : vector<576x576xf32>
    %slice3A_71 = vector.extract_strided_slice %add3A_49 {offsets = [0, 0], sizes = [576, 128], strides = [1, 1]} : vector<576x1024xf32> to vector<576x128xf32>
    %dot_general3A_72 = arith.constant dense<0.000000e+00> : vector<576x128xf32>
    %dot_general3A_73 = tpu.matmul %mul3A_70, %slice3A_71, %dot_general3A_72 {dimension_numbers = #tpu.dot_dimension_numbers<[1], [0], [0], [1], [0, 0, 1, 1], [], []>, transpose_lhs_hint = false} : vector<576x576xf32>, vector<576x128xf32>, vector<576x128xf32> -> vector<576x128xf32>
    %slice3A_74 = vector.extract_strided_slice %get3A_52 {offsets = [0, 128], sizes = [576, 128], strides = [1, 1]} : vector<576x1024xf32> to vector<576x128xf32>
    %slice3A_75 = vector.extract_strided_slice %add3A_39 {offsets = [0, 128], sizes = [576, 128], strides = [1, 1]} : vector<576x1024xf32> to vector<576x128xf32>
    %dot_general3A_76 = arith.constant dense<0.000000e+00> : vector<576x576xf32>
    %dot_general3A_77 = tpu.matmul %slice3A_74, %slice3A_75, %dot_general3A_76 {dimension_numbers = #tpu.dot_dimension_numbers<[1], [1], [0], [0], [0, 0, 1, 0], [], []>, transpose_lhs_hint = false} : vector<576x128xf32>, vector<576x128xf32>, vector<576x576xf32> -> vector<576x576xf32>
    %mul3A_78 = arith.constant 0.0883883461 : f32
    %mul3A_79 = vector.broadcast %mul3A_78 : f32 to vector<576x576xf32>
    %mul3A_80 = arith.mulf %dot_general3A_77, %mul3A_79 : vector<576x576xf32>
    %reduce_max3A_81 = arith.constant dense<0xFF800000> : vector<576xf32>
    %reduce_max3A_82 = vector.multi_reduction <maximumf>, %mul3A_80, %reduce_max3A_81 [1] : vector<576x576xf32> to vector<576xf32>
    %broadcast_in_dim3A_83 = vector.shape_cast %reduce_max3A_82 : vector<576xf32> to vector<576x1xf32>
    %sub3A_84 = vector.broadcast %broadcast_in_dim3A_83 : vector<576x1xf32> to vector<576x576xf32>
    %sub3A_85 = arith.subf %mul3A_80, %sub3A_84 : vector<576x576xf32>
    %exp3A_86 = math.exp %sub3A_85 : vector<576x576xf32>
    %reduce_sum3A_87 = arith.constant dense<0.000000e+00> : vector<576xf32>
    %reduce_sum3A_88 = vector.multi_reduction <add>, %exp3A_86, %reduce_sum3A_87 [1] : vector<576x576xf32> to vector<576xf32>
    %broadcast_in_dim3A_89 = vector.shape_cast %reduce_sum3A_88 : vector<576xf32> to vector<576x1xf32>
    %div3A_90 = arith.constant 1.000000e+00 : f32
    %div3A_91 = vector.broadcast %div3A_90 : f32 to vector<576x1xf32>
    %div3A_92 = arith.divf %div3A_91, %broadcast_in_dim3A_89 : vector<576x1xf32>
    %mul3A_93 = vector.broadcast %div3A_92 : vector<576x1xf32> to vector<576x576xf32>
    %mul3A_94 = arith.mulf %exp3A_86, %mul3A_93 : vector<576x576xf32>
    %slice3A_95 = vector.extract_strided_slice %add3A_49 {offsets = [0, 128], sizes = [576, 128], strides = [1, 1]} : vector<576x1024xf32> to vector<576x128xf32>
    %dot_general3A_96 = arith.constant dense<0.000000e+00> : vector<576x128xf32>
    %dot_general3A_97 = tpu.matmul %mul3A_94, %slice3A_95, %dot_general3A_96 {dimension_numbers = #tpu.dot_dimension_numbers<[1], [0], [0], [1], [0, 0, 1, 1], [], []>, transpose_lhs_hint = false} : vector<576x576xf32>, vector<576x128xf32>, vector<576x128xf32> -> vector<576x128xf32>
    %slice3A_98 = vector.extract_strided_slice %get3A_52 {offsets = [0, 256], sizes = [576, 128], strides = [1, 1]} : vector<576x1024xf32> to vector<576x128xf32>
    %slice3A_99 = vector.extract_strided_slice %add3A_39 {offsets = [0, 256], sizes = [576, 128], strides = [1, 1]} : vector<576x1024xf32> to vector<576x128xf32>
    %dot_general3A_100 = arith.constant dense<0.000000e+00> : vector<576x576xf32>
    %dot_general3A_101 = tpu.matmul %slice3A_98, %slice3A_99, %dot_general3A_100 {dimension_numbers = #tpu.dot_dimension_numbers<[1], [1], [0], [0], [0, 0, 1, 0], [], []>, transpose_lhs_hint = false} : vector<576x128xf32>, vector<576x128xf32>, vector<576x576xf32> -> vector<576x576xf32>
    %mul3A_102 = arith.constant 0.0883883461 : f32
    %mul3A_103 = vector.broadcast %mul3A_102 : f32 to vector<576x576xf32>
    %mul3A_104 = arith.mulf %dot_general3A_101, %mul3A_103 : vector<576x576xf32>
    %reduce_max3A_105 = arith.constant dense<0xFF800000> : vector<576xf32>
    %reduce_max3A_106 = vector.multi_reduction <maximumf>, %mul3A_104, %reduce_max3A_105 [1] : vector<576x576xf32> to vector<576xf32>
    %broadcast_in_dim3A_107 = vector.shape_cast %reduce_max3A_106 : vector<576xf32> to vector<576x1xf32>
    %sub3A_108 = vector.broadcast %broadcast_in_dim3A_107 : vector<576x1xf32> to vector<576x576xf32>
    %sub3A_109 = arith.subf %mul3A_104, %sub3A_108 : vector<576x576xf32>
    %exp3A_110 = math.exp %sub3A_109 : vector<576x576xf32>
    %reduce_sum3A_111 = arith.constant dense<0.000000e+00> : vector<576xf32>
    %reduce_sum3A_112 = vector.multi_reduction <add>, %exp3A_110, %reduce_sum3A_111 [1] : vector<576x576xf32> to vector<576xf32>
    %broadcast_in_dim3A_113 = vector.shape_cast %reduce_sum3A_112 : vector<576xf32> to vector<576x1xf32>
    %div3A_114 = arith.constant 1.000000e+00 : f32
    %div3A_115 = vector.broadcast %div3A_114 : f32 to vector<576x1xf32>
    %div3A_116 = arith.divf %div3A_115, %broadcast_in_dim3A_113 : vector<576x1xf32>
    %mul3A_117 = vector.broadcast %div3A_116 : vector<576x1xf32> to vector<576x576xf32>
    %mul3A_118 = arith.mulf %exp3A_110, %mul3A_117 : vector<576x576xf32>
    %slice3A_119 = vector.extract_strided_slice %add3A_49 {offsets = [0, 256], sizes = [576, 128], strides = [1, 1]} : vector<576x1024xf32> to vector<576x128xf32>
    %dot_general3A_120 = arith.constant dense<0.000000e+00> : vector<576x128xf32>
    %dot_general3A_121 = tpu.matmul %mul3A_118, %slice3A_119, %dot_general3A_120 {dimension_numbers = #tpu.dot_dimension_numbers<[1], [0], [0], [1], [0, 0, 1, 1], [], []>, transpose_lhs_hint = false} : vector<576x576xf32>, vector<576x128xf32>, vector<576x128xf32> -> vector<576x128xf32>
    %slice3A_122 = vector.extract_strided_slice %get3A_52 {offsets = [0, 384], sizes = [576, 128], strides = [1, 1]} : vector<576x1024xf32> to vector<576x128xf32>
    %slice3A_123 = vector.extract_strided_slice %add3A_39 {offsets = [0, 384], sizes = [576, 128], strides = [1, 1]} : vector<576x1024xf32> to vector<576x128xf32>
    %dot_general3A_124 = arith.constant dense<0.000000e+00> : vector<576x576xf32>
    %dot_general3A_125 = tpu.matmul %slice3A_122, %slice3A_123, %dot_general3A_124 {dimension_numbers = #tpu.dot_dimension_numbers<[1], [1], [0], [0], [0, 0, 1, 0], [], []>, transpose_lhs_hint = false} : vector<576x128xf32>, vector<576x128xf32>, vector<576x576xf32> -> vector<576x576xf32>
    %mul3A_126 = arith.constant 0.0883883461 : f32
    %mul3A_127 = vector.broadcast %mul3A_126 : f32 to vector<576x576xf32>
    %mul3A_128 = arith.mulf %dot_general3A_125, %mul3A_127 : vector<576x576xf32>
    %reduce_max3A_129 = arith.constant dense<0xFF800000> : vector<576xf32>
    %reduce_max3A_130 = vector.multi_reduction <maximumf>, %mul3A_128, %reduce_max3A_129 [1] : vector<576x576xf32> to vector<576xf32>
    %broadcast_in_dim3A_131 = vector.shape_cast %reduce_max3A_130 : vector<576xf32> to vector<576x1xf32>
    %sub3A_132 = vector.broadcast %broadcast_in_dim3A_131 : vector<576x1xf32> to vector<576x576xf32>
    %sub3A_133 = arith.subf %mul3A_128, %sub3A_132 : vector<576x576xf32>
    %exp3A_134 = math.exp %sub3A_133 : vector<576x576xf32>
    %reduce_sum3A_135 = arith.constant dense<0.000000e+00> : vector<576xf32>
    %reduce_sum3A_136 = vector.multi_reduction <add>, %exp3A_134, %reduce_sum3A_135 [1] : vector<576x576xf32> to vector<576xf32>
    %broadcast_in_dim3A_137 = vector.shape_cast %reduce_sum3A_136 : vector<576xf32> to vector<576x1xf32>
    %div3A_138 = arith.constant 1.000000e+00 : f32
    %div3A_139 = vector.broadcast %div3A_138 : f32 to vector<576x1xf32>
    %div3A_140 = arith.divf %div3A_139, %broadcast_in_dim3A_137 : vector<576x1xf32>
    %mul3A_141 = vector.broadcast %div3A_140 : vector<576x1xf32> to vector<576x576xf32>
    %mul3A_142 = arith.mulf %exp3A_134, %mul3A_141 : vector<576x576xf32>
    %slice3A_143 = vector.extract_strided_slice %add3A_49 {offsets = [0, 384], sizes = [576, 128], strides = [1, 1]} : vector<576x1024xf32> to vector<576x128xf32>
    %dot_general3A_144 = arith.constant dense<0.000000e+00> : vector<576x128xf32>
    %dot_general3A_145 = tpu.matmul %mul3A_142, %slice3A_143, %dot_general3A_144 {dimension_numbers = #tpu.dot_dimension_numbers<[1], [0], [0], [1], [0, 0, 1, 1], [], []>, transpose_lhs_hint = false} : vector<576x576xf32>, vector<576x128xf32>, vector<576x128xf32> -> vector<576x128xf32>
    %slice3A_146 = vector.extract_strided_slice %get3A_52 {offsets = [0, 512], sizes = [576, 128], strides = [1, 1]} : vector<576x1024xf32> to vector<576x128xf32>
    %slice3A_147 = vector.extract_strided_slice %add3A_39 {offsets = [0, 512], sizes = [576, 128], strides = [1, 1]} : vector<576x1024xf32> to vector<576x128xf32>
    %dot_general3A_148 = arith.constant dense<0.000000e+00> : vector<576x576xf32>
    %dot_general3A_149 = tpu.matmul %slice3A_146, %slice3A_147, %dot_general3A_148 {dimension_numbers = #tpu.dot_dimension_numbers<[1], [1], [0], [0], [0, 0, 1, 0], [], []>, transpose_lhs_hint = false} : vector<576x128xf32>, vector<576x128xf32>, vector<576x576xf32> -> vector<576x576xf32>
    %mul3A_150 = arith.constant 0.0883883461 : f32
    %mul3A_151 = vector.broadcast %mul3A_150 : f32 to vector<576x576xf32>
    %mul3A_152 = arith.mulf %dot_general3A_149, %mul3A_151 : vector<576x576xf32>
    %reduce_max3A_153 = arith.constant dense<0xFF800000> : vector<576xf32>
    %reduce_max3A_154 = vector.multi_reduction <maximumf>, %mul3A_152, %reduce_max3A_153 [1] : vector<576x576xf32> to vector<576xf32>
    %broadcast_in_dim3A_155 = vector.shape_cast %reduce_max3A_154 : vector<576xf32> to vector<576x1xf32>
    %sub3A_156 = vector.broadcast %broadcast_in_dim3A_155 : vector<576x1xf32> to vector<576x576xf32>
    %sub3A_157 = arith.subf %mul3A_152, %sub3A_156 : vector<576x576xf32>
    %exp3A_158 = math.exp %sub3A_157 : vector<576x576xf32>
    %reduce_sum3A_159 = arith.constant dense<0.000000e+00> : vector<576xf32>
    %reduce_sum3A_160 = vector.multi_reduction <add>, %exp3A_158, %reduce_sum3A_159 [1] : vector<576x576xf32> to vector<576xf32>
    %broadcast_in_dim3A_161 = vector.shape_cast %reduce_sum3A_160 : vector<576xf32> to vector<576x1xf32>
    %div3A_162 = arith.constant 1.000000e+00 : f32
    %div3A_163 = vector.broadcast %div3A_162 : f32 to vector<576x1xf32>
    %div3A_164 = arith.divf %div3A_163, %broadcast_in_dim3A_161 : vector<576x1xf32>
    %mul3A_165 = vector.broadcast %div3A_164 : vector<576x1xf32> to vector<576x576xf32>
    %mul3A_166 = arith.mulf %exp3A_158, %mul3A_165 : vector<576x576xf32>
    %slice3A_167 = vector.extract_strided_slice %add3A_49 {offsets = [0, 512], sizes = [576, 128], strides = [1, 1]} : vector<576x1024xf32> to vector<576x128xf32>
    %dot_general3A_168 = arith.constant dense<0.000000e+00> : vector<576x128xf32>
    %dot_general3A_169 = tpu.matmul %mul3A_166, %slice3A_167, %dot_general3A_168 {dimension_numbers = #tpu.dot_dimension_numbers<[1], [0], [0], [1], [0, 0, 1, 1], [], []>, transpose_lhs_hint = false} : vector<576x576xf32>, vector<576x128xf32>, vector<576x128xf32> -> vector<576x128xf32>
    %slice3A_170 = vector.extract_strided_slice %get3A_52 {offsets = [0, 640], sizes = [576, 128], strides = [1, 1]} : vector<576x1024xf32> to vector<576x128xf32>
    %slice3A_171 = vector.extract_strided_slice %add3A_39 {offsets = [0, 640], sizes = [576, 128], strides = [1, 1]} : vector<576x1024xf32> to vector<576x128xf32>
    %dot_general3A_172 = arith.constant dense<0.000000e+00> : vector<576x576xf32>
    %dot_general3A_173 = tpu.matmul %slice3A_170, %slice3A_171, %dot_general3A_172 {dimension_numbers = #tpu.dot_dimension_numbers<[1], [1], [0], [0], [0, 0, 1, 0], [], []>, transpose_lhs_hint = false} : vector<576x128xf32>, vector<576x128xf32>, vector<576x576xf32> -> vector<576x576xf32>
    %mul3A_174 = arith.constant 0.0883883461 : f32
    %mul3A_175 = vector.broadcast %mul3A_174 : f32 to vector<576x576xf32>
    %mul3A_176 = arith.mulf %dot_general3A_173, %mul3A_175 : vector<576x576xf32>
    %reduce_max3A_177 = arith.constant dense<0xFF800000> : vector<576xf32>
    %reduce_max3A_178 = vector.multi_reduction <maximumf>, %mul3A_176, %reduce_max3A_177 [1] : vector<576x576xf32> to vector<576xf32>
    %broadcast_in_dim3A_179 = vector.shape_cast %reduce_max3A_178 : vector<576xf32> to vector<576x1xf32>
    %sub3A_180 = vector.broadcast %broadcast_in_dim3A_179 : vector<576x1xf32> to vector<576x576xf32>
    %sub3A_181 = arith.subf %mul3A_176, %sub3A_180 : vector<576x576xf32>
    %exp3A_182 = math.exp %sub3A_181 : vector<576x576xf32>
    %reduce_sum3A_183 = arith.constant dense<0.000000e+00> : vector<576xf32>
    %reduce_sum3A_184 = vector.multi_reduction <add>, %exp3A_182, %reduce_sum3A_183 [1] : vector<576x576xf32> to vector<576xf32>
    %broadcast_in_dim3A_185 = vector.shape_cast %reduce_sum3A_184 : vector<576xf32> to vector<576x1xf32>
    %div3A_186 = arith.constant 1.000000e+00 : f32
    %div3A_187 = vector.broadcast %div3A_186 : f32 to vector<576x1xf32>
    %div3A_188 = arith.divf %div3A_187, %broadcast_in_dim3A_185 : vector<576x1xf32>
    %mul3A_189 = vector.broadcast %div3A_188 : vector<576x1xf32> to vector<576x576xf32>
    %mul3A_190 = arith.mulf %exp3A_182, %mul3A_189 : vector<576x576xf32>
    %slice3A_191 = vector.extract_strided_slice %add3A_49 {offsets = [0, 640], sizes = [576, 128], strides = [1, 1]} : vector<576x1024xf32> to vector<576x128xf32>
    %dot_general3A_192 = arith.constant dense<0.000000e+00> : vector<576x128xf32>
    %dot_general3A_193 = tpu.matmul %mul3A_190, %slice3A_191, %dot_general3A_192 {dimension_numbers = #tpu.dot_dimension_numbers<[1], [0], [0], [1], [0, 0, 1, 1], [], []>, transpose_lhs_hint = false} : vector<576x576xf32>, vector<576x128xf32>, vector<576x128xf32> -> vector<576x128xf32>
    %slice3A_194 = vector.extract_strided_slice %get3A_52 {offsets = [0, 768], sizes = [576, 128], strides = [1, 1]} : vector<576x1024xf32> to vector<576x128xf32>
    %slice3A_195 = vector.extract_strided_slice %add3A_39 {offsets = [0, 768], sizes = [576, 128], strides = [1, 1]} : vector<576x1024xf32> to vector<576x128xf32>
    %dot_general3A_196 = arith.constant dense<0.000000e+00> : vector<576x576xf32>
    %dot_general3A_197 = tpu.matmul %slice3A_194, %slice3A_195, %dot_general3A_196 {dimension_numbers = #tpu.dot_dimension_numbers<[1], [1], [0], [0], [0, 0, 1, 0], [], []>, transpose_lhs_hint = false} : vector<576x128xf32>, vector<576x128xf32>, vector<576x576xf32> -> vector<576x576xf32>
    %mul3A_198 = arith.constant 0.0883883461 : f32
    %mul3A_199 = vector.broadcast %mul3A_198 : f32 to vector<576x576xf32>
    %mul3A_200 = arith.mulf %dot_general3A_197, %mul3A_199 : vector<576x576xf32>
    %reduce_max3A_201 = arith.constant dense<0xFF800000> : vector<576xf32>
    %reduce_max3A_202 = vector.multi_reduction <maximumf>, %mul3A_200, %reduce_max3A_201 [1] : vector<576x576xf32> to vector<576xf32>
    %broadcast_in_dim3A_203 = vector.shape_cast %reduce_max3A_202 : vector<576xf32> to vector<576x1xf32>
    %sub3A_204 = vector.broadcast %broadcast_in_dim3A_203 : vector<576x1xf32> to vector<576x576xf32>
    %sub3A_205 = arith.subf %mul3A_200, %sub3A_204 : vector<576x576xf32>
    %exp3A_206 = math.exp %sub3A_205 : vector<576x576xf32>
    %reduce_sum3A_207 = arith.constant dense<0.000000e+00> : vector<576xf32>
    %reduce_sum3A_208 = vector.multi_reduction <add>, %exp3A_206, %reduce_sum3A_207 [1] : vector<576x576xf32> to vector<576xf32>
    %broadcast_in_dim3A_209 = vector.shape_cast %reduce_sum3A_208 : vector<576xf32> to vector<576x1xf32>
    %div3A_210 = arith.constant 1.000000e+00 : f32
    %div3A_211 = vector.broadcast %div3A_210 : f32 to vector<576x1xf32>
    %div3A_212 = arith.divf %div3A_211, %broadcast_in_dim3A_209 : vector<576x1xf32>
    %mul3A_213 = vector.broadcast %div3A_212 : vector<576x1xf32> to vector<576x576xf32>
    %mul3A_214 = arith.mulf %exp3A_206, %mul3A_213 : vector<576x576xf32>
    %slice3A_215 = vector.extract_strided_slice %add3A_49 {offsets = [0, 768], sizes = [576, 128], strides = [1, 1]} : vector<576x1024xf32> to vector<576x128xf32>
    %dot_general3A_216 = arith.constant dense<0.000000e+00> : vector<576x128xf32>
    %dot_general3A_217 = tpu.matmul %mul3A_214, %slice3A_215, %dot_general3A_216 {dimension_numbers = #tpu.dot_dimension_numbers<[1], [0], [0], [1], [0, 0, 1, 1], [], []>, transpose_lhs_hint = false} : vector<576x576xf32>, vector<576x128xf32>, vector<576x128xf32> -> vector<576x128xf32>
    %slice3A_218 = vector.extract_strided_slice %get3A_52 {offsets = [0, 896], sizes = [576, 128], strides = [1, 1]} : vector<576x1024xf32> to vector<576x128xf32>
    %slice3A_219 = vector.extract_strided_slice %add3A_39 {offsets = [0, 896], sizes = [576, 128], strides = [1, 1]} : vector<576x1024xf32> to vector<576x128xf32>
    %dot_general3A_220 = arith.constant dense<0.000000e+00> : vector<576x576xf32>
    %dot_general3A_221 = tpu.matmul %slice3A_218, %slice3A_219, %dot_general3A_220 {dimension_numbers = #tpu.dot_dimension_numbers<[1], [1], [0], [0], [0, 0, 1, 0], [], []>, transpose_lhs_hint = false} : vector<576x128xf32>, vector<576x128xf32>, vector<576x576xf32> -> vector<576x576xf32>
    %mul3A_222 = arith.constant 0.0883883461 : f32
    %mul3A_223 = vector.broadcast %mul3A_222 : f32 to vector<576x576xf32>
    %mul3A_224 = arith.mulf %dot_general3A_221, %mul3A_223 : vector<576x576xf32>
    %reduce_max3A_225 = arith.constant dense<0xFF800000> : vector<576xf32>
    %reduce_max3A_226 = vector.multi_reduction <maximumf>, %mul3A_224, %reduce_max3A_225 [1] : vector<576x576xf32> to vector<576xf32>
    %broadcast_in_dim3A_227 = vector.shape_cast %reduce_max3A_226 : vector<576xf32> to vector<576x1xf32>
    %sub3A_228 = vector.broadcast %broadcast_in_dim3A_227 : vector<576x1xf32> to vector<576x576xf32>
    %sub3A_229 = arith.subf %mul3A_224, %sub3A_228 : vector<576x576xf32>
    %exp3A_230 = math.exp %sub3A_229 : vector<576x576xf32>
    %reduce_sum3A_231 = arith.constant dense<0.000000e+00> : vector<576xf32>
    %reduce_sum3A_232 = vector.multi_reduction <add>, %exp3A_230, %reduce_sum3A_231 [1] : vector<576x576xf32> to vector<576xf32>
    %broadcast_in_dim3A_233 = vector.shape_cast %reduce_sum3A_232 : vector<576xf32> to vector<576x1xf32>
    %div3A_234 = arith.constant 1.000000e+00 : f32
    %div3A_235 = vector.broadcast %div3A_234 : f32 to vector<576x1xf32>
    %div3A_236 = arith.divf %div3A_235, %broadcast_in_dim3A_233 : vector<576x1xf32>
    %mul3A_237 = vector.broadcast %div3A_236 : vector<576x1xf32> to vector<576x576xf32>
    %mul3A_238 = arith.mulf %exp3A_230, %mul3A_237 : vector<576x576xf32>
    %slice3A_239 = vector.extract_strided_slice %add3A_49 {offsets = [0, 896], sizes = [576, 128], strides = [1, 1]} : vector<576x1024xf32> to vector<576x128xf32>
    %dot_general3A_240 = arith.constant dense<0.000000e+00> : vector<576x128xf32>
    %dot_general3A_241 = tpu.matmul %mul3A_238, %slice3A_239, %dot_general3A_240 {dimension_numbers = #tpu.dot_dimension_numbers<[1], [0], [0], [1], [0, 0, 1, 1], [], []>, transpose_lhs_hint = false} : vector<576x576xf32>, vector<576x128xf32>, vector<576x128xf32> -> vector<576x128xf32>
    %concatenate3A = tpu.concatenate %dot_general3A_73, %dot_general3A_97, %dot_general3A_121, %dot_general3A_145, %dot_general3A_169, %dot_general3A_193, %dot_general3A_217, %dot_general3A_241 in 1 : vector<576x128xf32>, vector<576x128xf32>, vector<576x128xf32>, vector<576x128xf32>, vector<576x128xf32>, vector<576x128xf32>, vector<576x128xf32>, vector<576x128xf32> -> vector<576x1024xf32>
    %get3A_242 = arith.constant 0 : index
    %get3A_243 = arith.constant 0 : index
    %get3A_244 = vector.load %arg10[%get3A_242, %get3A_243] : memref<1024x1024xf32, #tpu.memory_space<vmem>>, vector<1024x1024xf32>
    %dot_general3A_245 = arith.constant dense<0.000000e+00> : vector<576x1024xf32>
    %dot_general3A_246 = tpu.matmul %concatenate3A, %get3A_244, %dot_general3A_245 {dimension_numbers = #tpu.dot_dimension_numbers<[1], [1], [0], [0], [0, 0, 1, 0], [], []>, transpose_lhs_hint = false} : vector<576x1024xf32>, vector<1024x1024xf32>, vector<576x1024xf32> -> vector<576x1024xf32>
    %get3A_247 = arith.constant 0 : index
    %get3A_248 = arith.constant 0 : index
    %get3A_249 = vector.load %arg11[%get3A_247, %get3A_248] : memref<1x1024xf32, #tpu.memory_space<vmem>>, vector<1x1024xf32>
    %add3A_250 = vector.broadcast %get3A_249 : vector<1x1024xf32> to vector<576x1024xf32>
    %add3A_251 = arith.addf %dot_general3A_246, %add3A_250 : vector<576x1024xf32>
    %convert_element_type3A = arith.truncf %add3A_251 : vector<576x1024xf32> to vector<576x1024xbf16>
    %swap3A = arith.constant 0 : index
    %swap3A_252 = arith.constant 0 : index
    %swap3A_253 = vector.load %arg12[%swap3A, %swap3A_252] : memref<576x1024xbf16, #tpu.memory_space<vmem>>, vector<576x1024xbf16>
    tpu.vector_store %arg12[%swap3A, %swap3A_252], %convert_element_type3A {strides = array<i32>} : memref<576x1024xbf16, #tpu.memory_space<vmem>>, vector<576x1024xbf16>,
    return
  }
  func.func @transform_0(%arg0: i32) -> (i32, i32) {
    %c0_i32 = arith.constant 0 : i32
    %c0_i32_0 = arith.constant 0 : i32
    %c0_i32_1 = arith.constant 0 : i32
    return %c0_i32, %c0_i32_0 : i32, i32
  }
  func.func @transform_1(%arg0: i32) -> (i32, i32) {
    %c0_i32 = arith.constant 0 : i32
    %c0_i32_0 = arith.constant 0 : i32
    return %arg0, %c0_i32 : i32, i32
  }
  func.func @transform_2(%arg0: i32) -> (i32, i32) {
    %c0_i32 = arith.constant 0 : i32
    %c0_i32_0 = arith.constant 0 : i32
    %c0_i32_1 = arith.constant 0 : i32
    return %c0_i32, %c0_i32_0 : i32, i32
  }
  func.func @transform_3(%arg0: i32) -> (i32, i32) {
    %c0_i32 = arith.constant 0 : i32
    %c0_i32_0 = arith.constant 0 : i32
    %c0_i32_1 = arith.constant 0 : i32
    return %c0_i32, %c0_i32_0 : i32, i32
  }
  func.func @transform_4(%arg0: i32) -> (i32, i32) {
    %c0_i32 = arith.constant 0 : i32
    %c0_i32_0 = arith.constant 0 : i32
    %c0_i32_1 = arith.constant 0 : i32
    return %c0_i32, %c0_i32_0 : i32, i32
  }
  func.func @transform_5(%arg0: i32) -> (i32, i32) {
    %c1_i32 = arith.constant 1 : i32
    %c0_i32 = arith.constant 0 : i32
    %c0_i32_0 = arith.constant 0 : i32
    return %c1_i32, %c0_i32 : i32, i32
  }
  func.func @transform_6(%arg0: i32) -> (i32, i32) {
    %c2_i32 = arith.constant 2 : i32
    %c0_i32 = arith.constant 0 : i32
    %c0_i32_0 = arith.constant 0 : i32
    return %c2_i32, %c0_i32 : i32, i32
  }
  func.func @transform_7(%arg0: i32) -> (i32, i32) {
    %c0_i32 = arith.constant 0 : i32
    %c0_i32_0 = arith.constant 0 : i32
    %c0_i32_1 = arith.constant 0 : i32
    return %c0_i32, %c0_i32_0 : i32, i32
  }
  func.func @transform_8(%arg0: i32) -> (i32, i32) {
    %c0_i32 = arith.constant 0 : i32
    %c0_i32_0 = arith.constant 0 : i32
    %c0_i32_1 = arith.constant 0 : i32
    return %c0_i32, %c0_i32_0 : i32, i32
  }
  func.func @transform_9(%arg0: i32) -> (i32, i32) {
    %c0_i32 = arith.constant 0 : i32
    %c0_i32_0 = arith.constant 0 : i32
    %c0_i32_1 = arith.constant 0 : i32
    return %c0_i32, %c0_i32_0 : i32, i32
  }
  func.func @transform_10(%arg0: i32) -> (i32, i32) {
    %c0_i32 = arith.constant 0 : i32
    %c0_i32_0 = arith.constant 0 : i32
    %c0_i32_1 = arith.constant 0 : i32
    return %c0_i32, %c0_i32_0 : i32, i32
  }
  func.func @transform_11(%arg0: i32) -> (i32, i32) {
    %c0_i32 = arith.constant 0 : i32
    %c0_i32_0 = arith.constant 0 : i32
    return %arg0, %c0_i32 : i32, i32
  }
}

module attributes {stable_mosaic.version = 14 : i64} {
  func.func @_mlp_kernel(%arg0: i32, %arg1: memref<256x1024xf32, #tpu.memory_space<vmem>>, %arg2: memref<256x1024xbf16, #tpu.memory_space<vmem>>, %arg3: memref<1024x2048xf32, #tpu.memory_space<vmem>>, %arg4: memref<1x2048xf32, #tpu.memory_space<vmem>>, %arg5: memref<2048x2048xf32, #tpu.memory_space<vmem>>, %arg6: memref<1x2048xf32, #tpu.memory_space<vmem>>, %arg7: memref<256xf32, #tpu.memory_space<vmem>>, %arg8: memref<256xf32, #tpu.memory_space<vmem>>, %arg9: memref<256x2048xf32, #tpu.memory_space<vmem>>) attributes {dimension_semantics = [#tpu.dimension_semantics<parallel>], iteration_bounds = array<i64: 9>, scalar_prefetch = 0 : i64, scratch_operands = 0 : i64, tpu.core_type = #tpu.core_type<tc>, window_params = [{transform_indices = @transform_0, window_bounds = array<i64: 256, 1024>}, {transform_indices = @transform_1, window_bounds = array<i64: 256, 1024>}, {pipeline_mode = #tpu.pipeline_mode<synchronous>, transform_indices = @transform_2, window_bounds = array<i64: 1024, 2048>}, {pipeline_mode = #tpu.pipeline_mode<synchronous>, transform_indices = @transform_3, window_bounds = array<i64: 1, 2048>}, {pipeline_mode = #tpu.pipeline_mode<synchronous>, transform_indices = @transform_4, window_bounds = array<i64: 2048, 2048>}, {pipeline_mode = #tpu.pipeline_mode<synchronous>, transform_indices = @transform_5, window_bounds = array<i64: 1, 2048>}, {transform_indices = @transform_6, window_bounds = array<i64: 256>}, {transform_indices = @transform_7, window_bounds = array<i64: 256>}, {transform_indices = @transform_8, window_bounds = array<i64: 256, 2048>}]} {
    %get3A = arith.constant 0 : index
    %get3A_0 = vector.load %arg7[%get3A] : memref<256xf32, #tpu.memory_space<vmem>>, vector<256xf32>
    %reshape3A = vector.shape_cast %get3A_0 : vector<256xf32> to vector<256x1xf32>
    %get3A_1 = arith.constant 0 : index
    %get3A_2 = vector.load %arg8[%get3A_1] : memref<256xf32, #tpu.memory_space<vmem>>, vector<256xf32>
    %reshape3A_3 = vector.shape_cast %get3A_2 : vector<256xf32> to vector<256x1xf32>
    %get3A_4 = arith.constant 0 : index
    %get3A_5 = arith.constant 0 : index
    %get3A_6 = vector.load %arg1[%get3A_4, %get3A_5] : memref<256x1024xf32, #tpu.memory_space<vmem>>, vector<256x1024xf32>
    %get3A_7 = arith.constant 0 : index
    %get3A_8 = arith.constant 0 : index
    %get3A_9 = vector.load %arg3[%get3A_7, %get3A_8] : memref<1024x2048xf32, #tpu.memory_space<vmem>>, vector<1024x2048xf32>
    %dot_general3A = arith.constant dense<0.000000e+00> : vector<256x2048xf32>
    %dot_general3A_10 = tpu.matmul %get3A_6, %get3A_9, %dot_general3A {dimension_numbers = #tpu.dot_dimension_numbers<[1], [0], [0], [1], [0, 0, 1, 1], [], []>, transpose_lhs_hint = false} : vector<256x1024xf32>, vector<1024x2048xf32>, vector<256x2048xf32> -> vector<256x2048xf32>
    %get3A_11 = arith.constant 0 : index
    %get3A_12 = arith.constant 0 : index
    %get3A_13 = vector.load %arg4[%get3A_11, %get3A_12] : memref<1x2048xf32, #tpu.memory_space<vmem>>, vector<1x2048xf32>
    %add3A = vector.broadcast %get3A_13 : vector<1x2048xf32> to vector<256x2048xf32>
    %add3A_14 = arith.addf %dot_general3A_10, %add3A : vector<256x2048xf32>
    %mul3A = arith.constant 5.000000e-01 : f32
    %mul3A_15 = vector.broadcast %mul3A : f32 to vector<256x2048xf32>
    %mul3A_16 = arith.mulf %mul3A_15, %add3A_14 : vector<256x2048xf32>
    %mul3A_17 = arith.constant 0.707106769 : f32
    %mul3A_18 = vector.broadcast %mul3A_17 : f32 to vector<256x2048xf32>
    %mul3A_19 = arith.mulf %add3A_14, %mul3A_18 : vector<256x2048xf32>
    %erf3A = math.erf %mul3A_19 : vector<256x2048xf32>
    %add3A_20 = arith.constant 1.000000e+00 : f32
    %add3A_21 = vector.broadcast %add3A_20 : f32 to vector<256x2048xf32>
    %add3A_22 = arith.addf %add3A_21, %erf3A : vector<256x2048xf32>
    %mul3A_23 = arith.mulf %mul3A_16, %add3A_22 : vector<256x2048xf32>
    %get3A_24 = arith.constant 0 : index
    %get3A_25 = arith.constant 0 : index
    %get3A_26 = vector.load %arg2[%get3A_24, %get3A_25] : memref<256x1024xbf16, #tpu.memory_space<vmem>>, vector<256x1024xbf16>
    %get3A_27 = arith.constant 0 : index
    %get3A_28 = arith.constant 0 : index
    %get3A_29 = vector.load %arg3[%get3A_27, %get3A_28] : memref<1024x2048xf32, #tpu.memory_space<vmem>>, vector<1024x2048xf32>
    %dot_general3A_30 = arith.constant dense<0.000000e+00> : vector<256x2048xf32>
    %dot_general3A_31 = tpu.matmul %get3A_26, %get3A_29, %dot_general3A_30 {dimension_numbers = #tpu.dot_dimension_numbers<[1], [0], [0], [1], [0, 0, 1, 1], [], []>, transpose_lhs_hint = false} : vector<256x1024xbf16>, vector<1024x2048xf32>, vector<256x2048xf32> -> vector<256x2048xf32>
    %get3A_32 = arith.constant 0 : index
    %get3A_33 = arith.constant 0 : index
    %get3A_34 = vector.load %arg4[%get3A_32, %get3A_33] : memref<1x2048xf32, #tpu.memory_space<vmem>>, vector<1x2048xf32>
    %add3A_35 = vector.broadcast %get3A_34 : vector<1x2048xf32> to vector<256x2048xf32>
    %add3A_36 = arith.addf %dot_general3A_31, %add3A_35 : vector<256x2048xf32>
    %mul3A_37 = arith.constant 5.000000e-01 : f32
    %mul3A_38 = vector.broadcast %mul3A_37 : f32 to vector<256x2048xf32>
    %mul3A_39 = arith.mulf %mul3A_38, %add3A_36 : vector<256x2048xf32>
    %mul3A_40 = arith.constant 0.707106769 : f32
    %mul3A_41 = vector.broadcast %mul3A_40 : f32 to vector<256x2048xf32>
    %mul3A_42 = arith.mulf %add3A_36, %mul3A_41 : vector<256x2048xf32>
    %erf3A_43 = math.erf %mul3A_42 : vector<256x2048xf32>
    %add3A_44 = arith.constant 1.000000e+00 : f32
    %add3A_45 = vector.broadcast %add3A_44 : f32 to vector<256x2048xf32>
    %add3A_46 = arith.addf %add3A_45, %erf3A_43 : vector<256x2048xf32>
    %mul3A_47 = arith.mulf %mul3A_39, %add3A_46 : vector<256x2048xf32>
    %mul3A_48 = vector.broadcast %reshape3A : vector<256x1xf32> to vector<256x2048xf32>
    %mul3A_49 = arith.mulf %mul3A_48, %mul3A_23 : vector<256x2048xf32>
    %mul3A_50 = vector.broadcast %reshape3A_3 : vector<256x1xf32> to vector<256x2048xf32>
    %mul3A_51 = arith.mulf %mul3A_50, %mul3A_47 : vector<256x2048xf32>
    %add3A_52 = arith.addf %mul3A_49, %mul3A_51 : vector<256x2048xf32>
    %get3A_53 = arith.constant 0 : index
    %get3A_54 = arith.constant 0 : index
    %get3A_55 = vector.load %arg5[%get3A_53, %get3A_54] : memref<2048x2048xf32, #tpu.memory_space<vmem>>, vector<2048x2048xf32>
    %dot_general3A_56 = arith.constant dense<0.000000e+00> : vector<256x2048xf32>
    %dot_general3A_57 = tpu.matmul %add3A_52, %get3A_55, %dot_general3A_56 {dimension_numbers = #tpu.dot_dimension_numbers<[1], [0], [0], [1], [0, 0, 1, 1], [], []>, transpose_lhs_hint = false} : vector<256x2048xf32>, vector<2048x2048xf32>, vector<256x2048xf32> -> vector<256x2048xf32>
    %add3A_58 = arith.addf %reshape3A, %reshape3A_3 : vector<256x1xf32>
    %get3A_59 = arith.constant 0 : index
    %get3A_60 = arith.constant 0 : index
    %get3A_61 = vector.load %arg6[%get3A_59, %get3A_60] : memref<1x2048xf32, #tpu.memory_space<vmem>>, vector<1x2048xf32>
    %mul3A_62 = vector.broadcast %add3A_58 : vector<256x1xf32> to vector<256x2048xf32>
    %mul3A_63 = vector.broadcast %get3A_61 : vector<1x2048xf32> to vector<256x2048xf32>
    %mul3A_64 = arith.mulf %mul3A_62, %mul3A_63 : vector<256x2048xf32>
    %add3A_65 = arith.addf %dot_general3A_57, %mul3A_64 : vector<256x2048xf32>
    %swap3A = arith.constant 0 : index
    %swap3A_66 = arith.constant 0 : index
    %swap3A_67 = vector.load %arg9[%swap3A, %swap3A_66] : memref<256x2048xf32, #tpu.memory_space<vmem>>, vector<256x2048xf32>
    tpu.vector_store %arg9[%swap3A, %swap3A_66], %add3A_65 {strides = array<i32>} : memref<256x2048xf32, #tpu.memory_space<vmem>>, vector<256x2048xf32>,
    return
  }
  func.func @transform_0(%arg0: i32) -> (i32, i32) {
    %c0_i32 = arith.constant 0 : i32
    %c0_i32_0 = arith.constant 0 : i32
    return %arg0, %c0_i32 : i32, i32
  }
  func.func @transform_1(%arg0: i32) -> (i32, i32) {
    %c0_i32 = arith.constant 0 : i32
    %c0_i32_0 = arith.constant 0 : i32
    return %arg0, %c0_i32 : i32, i32
  }
  func.func @transform_2(%arg0: i32) -> (i32, i32) {
    %c0_i32 = arith.constant 0 : i32
    %c0_i32_0 = arith.constant 0 : i32
    %c0_i32_1 = arith.constant 0 : i32
    return %c0_i32, %c0_i32_0 : i32, i32
  }
  func.func @transform_3(%arg0: i32) -> (i32, i32) {
    %c0_i32 = arith.constant 0 : i32
    %c0_i32_0 = arith.constant 0 : i32
    %c0_i32_1 = arith.constant 0 : i32
    return %c0_i32, %c0_i32_0 : i32, i32
  }
  func.func @transform_4(%arg0: i32) -> (i32, i32) {
    %c0_i32 = arith.constant 0 : i32
    %c0_i32_0 = arith.constant 0 : i32
    %c0_i32_1 = arith.constant 0 : i32
    return %c0_i32, %c0_i32_0 : i32, i32
  }
  func.func @transform_5(%arg0: i32) -> (i32, i32) {
    %c0_i32 = arith.constant 0 : i32
    %c0_i32_0 = arith.constant 0 : i32
    %c0_i32_1 = arith.constant 0 : i32
    return %c0_i32, %c0_i32_0 : i32, i32
  }
  func.func @transform_6(%arg0: i32) -> i32 {
    %c0_i32 = arith.constant 0 : i32
    return %arg0 : i32
  }
  func.func @transform_7(%arg0: i32) -> i32 {
    %c0_i32 = arith.constant 0 : i32
    return %arg0 : i32
  }
  func.func @transform_8(%arg0: i32) -> (i32, i32) {
    %c0_i32 = arith.constant 0 : i32
    %c0_i32_0 = arith.constant 0 : i32
    return %arg0, %c0_i32 : i32, i32
  }
}

</mosaic_0001>

<sc_bundles>
// kernel: kernel.6.cloned.1.call-start
scs
__scs_entry_jumppad:
0x0: {  	(pc) =	sbr.rel $0x88, $3  }
0x1: {  	(tag) =	ssettag $0x0;
	lr =	simm.s32 $0x1  }
0x2: {  	[smem:$0x3F91] =	sst lr;
	_ =	strace $0xD0000000  }
0x3: {  	_ = 	snop  }
0x4: {  	_ = 	snop  }
0x5: {  	_ = 	snop  }
0x6: {  	_ = 	snop  }
0x7: {  	_ = 	snop  }
__scs_overlays_trampoline_lowered:
0x8: {  	[smem:$0x3FA0] =	sst s0  }
0x9: {  	[smem:$0x3FA1] =	sst s1  }
0xa: {  	[smem:$0x3FA2] =	sst s2  }
0xb: {  	[smem:$0x3FA3] =	sst s3  }
0xc: {  	[smem:$0x3FA4] =	sst s4  }
0xd: {  	[smem:$0x3FA5] =	sst s5  }
0xe: {  	[smem:$0x3FA6] =	sst s6  }
0xf: {  	[smem:$0x3FA7] =	sst s7  }
0x10: {  	[smem:$0x3FA8] =	sst s8  }
0x11: {  	[smem:$0x3FA9] =	sst s9;
	s0 =	simm.s32 @!p0 $0x0  }
0x12: {  	s1 =	sld [smem:$0x3F8F];
	s0 =	simm.s32 @p0 $0x1  }
0x13: {  	[smem:$0x3FAA] =	sst s0;
	s0 =	simm.s32 @!p1 $0x0  }
0x14: {  	s2 =	sld [smem:$0x3F8E];
	s0 =	simm.s32 @p1 $0x1  }
0x15: {  	[smem:$0x3FAB] =	sst s0;
	s0 =	simm.s32 @!p2 $0x0  }
0x16: {  	s3 =	sld [smem:$0x3FDB];
	s0 =	simm.s32 @p2 $0x1  }
0x17: {  	s4 =	simm.s32 $0x1BF5;
	[smem:$0x3FAD] =	sst s0  }
0x18: {  	s0 =	sld [smem:$0x3F90];
	_ =	swait.ge [sflag:s4], $0x0  }
0x19: {  	s7 =	sld [smem:$0x3F91]  }
0x1a: {  	s8 =	sadd.s32 $0xFFFFE003, lr  }
0x1b: {  	s9 =	sadd.s32 $0xFFFFFEF7, lr;
	s5 =	simm.s32 $0xFFFFFFFF;
	p2 =	slt.u32 s8, $0xFFFFF086  }
0x1c: {  	p1 =	slt.u32 s9, $0xF7A;
	s5 =	simm.s32 @!p2 $0x0  }
0x1d: {  	s5 =	simm.s32 @p1 $0x1;
	p0 =	seq.s32 s7, s2  }
0x1e: {  	s7 =	smul.u32 @!p0 $0xF7A, s2;
	p2 =	seq.s32 @!p0 s5, $0x0  }
0x1f: {  	s9 =	smul.u32 $0xF7A, s1;
	s8 =	simm.s32 @!p0 $0x1BF5;
	p2 =	por !p2, p0  }
0x20: {  	[sflag:s8] =	ssyncset.s32 @!p0 $0xFFFFF086;
	s6 =	sadd.s32 @!p0 s3, s7;
	s7 =	simm.s32 @!p0 $0x108  }
0x21: {  	s3 =	sadd.s32 s3, s9;
	s6 =	sadd.s32 @!p0 $0x88, s6;
	s7 =	simm.s32 @p2 $0x1082  }
0x22: {  	[simem:s7], [sflag:s8] =	dma.local @!p0 [hbm:s6], $0xF7A  }
0x23: {  	s9 =	sor.u32 $0xD0000000, s2;
	s6 =	simm.s32 $0x108;
	_ =	swait.ge @!p0 [sflag:s8], $0x0  }
0x24: {  	s3 =	sadd.s32 $0x88, s3;
	s6 =	simm.s32 @!p1 $0x1082;
	[sflag:s4] =	ssyncset.s32 $0xFFFFF086  }
0x25: {  	[simem:s6], [sflag:s4] =	dma.local [hbm:s3], $0xF7A  }
0x26: {  	[smem:$0x3F91] =	sst s1;
	(tag) =	ssettag s2;
	_ =	strace s9  }
0x27: {  	s1 =	sld [smem:$0x3FA1]  }
0x28: {  	s2 =	sld [smem:$0x3FA2]  }
0x29: {  	s4 =	sld [smem:$0x3FA4]  }
0x2a: {  	p0 =	seq.s32 s5, $0x0;
	s5 =	sld [smem:$0x3FA5]  }
0x2b: {  	s6 =	sld [smem:$0x3FA6]  }
0x2c: {  	s7 =	sld [smem:$0x3FA7]  }
0x2d: {  	s3 =	simm.s32 $0x108;
	s8 =	sld [smem:$0x3FA8]  }
0x2e: {  	s3 =	simm.s32 @!p0 $0x1082;
	s9 =	sld [smem:$0x3FA9]  }
0x2f: {  	lr =	sadd.s32 s0, s3;
	s0 =	sld [smem:$0x3FA0]  }
0x30: {  	s3 =	sld [smem:$0x3FA3]  }
0x31: {  	[smem:$0x3FAC] =	sst s10  }
0x32: {  	s10 =	sld [smem:$0x3FAA];
	_ =	sdelay $0x3  }
0x33: {  	p0 =	seq.s32 s10, $0x1;
	s10 =	sld [smem:$0x3FAC];
	_ =	sdelay $0x3  }
0x34: {  	[smem:$0x3FAC] =	sst s10  }
0x35: {  	s10 =	sld [smem:$0x3FAB];
	_ =	sdelay $0x3  }
0x36: {  	p1 =	seq.s32 s10, $0x1;
	s10 =	sld [smem:$0x3FAC];
	_ =	sdelay $0x3  }
0x37: {  	[smem:$0x3FAC] =	sst s10  }
0x38: {  	s10 =	sld [smem:$0x3FAD]  }
0x39: {  	_ = 	snop;
	(pc) =	sbr.ind lr, $3  }
0x3a: {  	_ = 	snop  }
0x3b: {  	_ = 	snop  }
0x3c: {  	p2 =	seq.s32 s10, $0x1;
	s10 =	sld [smem:$0x3FAC]  }
0x3d: {  	_ =	shalt  }
0x3e: {  	_ =	shalt  }
0x3f: {  	_ =	shalt  }
0x40: {  	_ =	shalt  }
0x41: {  	_ =	shalt  }
0x42: {  	_ =	shalt  }
0x43: {  	_ =	shalt  }
0x44: {  	_ =	shalt  }
0x45: {  	_ =	shalt  }
0x46: {  	_ =	shalt  }
0x47: {  	_ =	shalt  }
0x48: {  	_ =	shalt  }
0x49: {  	_ =	shalt  }
0x4a: {  	_ =	shalt  }
0x4b: {  	_ =	shalt  }
0x4c: {  	_ =	shalt  }
0x4d: {  	_ =	shalt  }
0x4e: {  	_ =	shalt  }
0x4f: {  	_ =	shalt  }
0x50: {  	_ =	shalt  }
0x51: {  	_ =	shalt  }
0x52: {  	_ =	shalt  }
0x53: {  	_ =	shalt  }
0x54: {  	_ =	shalt  }
0x55: {  	_ =	shalt  }
0x56: {  	_ =	shalt  }
0x57: {  	_ =	shalt  }
0x58: {  	_ =	shalt  }
0x59: {  	_ =	shalt  }
0x5a: {  	_ =	shalt  }
0x5b: {  	_ =	shalt  }
0x5c: {  	_ =	shalt  }
0x5d: {  	_ =	shalt  }
0x5e: {  	_ =	shalt  }
0x5f: {  	_ =	shalt  }
0x60: {  	_ =	shalt  }
0x61: {  	_ =	shalt  }
0x62: {  	_ =	shalt  }
0x63: {  	_ =	shalt  }
0x64: {  	_ =	shalt  }
0x65: {  	_ =	shalt  }
0x66: {  	_ =	shalt  }
0x67: {  	_ =	shalt  }
0x68: {  	_ =	shalt  }
0x69: {  	_ =	shalt  }
0x6a: {  	_ =	shalt  }
0x6b: {  	_ =	shalt  }
0x6c: {  	_ =	shalt  }
0x6d: {  	_ =	shalt  }
0x6e: {  	_ =	shalt  }
0x6f: {  	_ =	shalt  }
0x70: {  	_ =	shalt  }
0x71: {  	_ =	shalt  }
0x72: {  	_ =	shalt  }
0x73: {  	_ =	shalt  }
0x74: {  	_ =	shalt  }
0x75: {  	_ =	shalt  }
0x76: {  	_ =	shalt  }
0x77: {  	_ =	shalt  }
0x78: {  	_ =	shalt  }
0x79: {  	_ =	shalt  }
0x7a: {  	_ =	shalt  }
0x7b: {  	_ =	shalt  }
0x7c: {  	_ =	shalt  }
0x7d: {  	_ =	shalt  }
0x7e: {  	_ =	shalt  }
0x7f: {  	_ =	shalt  }
0x80: {  	_ =	shalt  }
0x81: {  	_ =	shalt  }
0x82: {  	_ =	shalt  }
0x83: {  	_ =	shalt  }
0x84: {  	_ =	shalt  }
0x85: {  	_ =	shalt  }
0x86: {  	_ =	shalt  }
0x87: {  	_ =	shalt  }
.Lfunc_end0:
.L_simem_size_0:
called_computation_lowered:
.L_overlay_start_0:
0x88: {  	s2 =	sld [smem:$0x3FD9]  }
0x89: {  	s3 =	sld [smem:$0x3FFE];
	_ =	sdelay $0x1  }
0x8a: {  	s1 =	srdreg.scid  }
0x8b: {  	s0 =	sand.u32 $0x1, s1  }
0x8c: {  	s17 =	sshll.u32 s0, $0xA;
	s2 =	sadd.s32 s3, s2  }
0x8d: {  	s2 =	sadd.s32 s2, s17  }
0x8e: {  	[smem:$0x3FB8] =	sst s2  }
0x8f: {  	_ = 	snop  }
0x90: {  	s2 =	sld [smem:$0x3FD0];
	(tm) =	ssettm $0x1  }
0x91: {  	s18 =	sld [smem:$0x3FFB];
	_ =	sdelay $0x3  }
0x92: {  	_ =	strace s18  }
0x93: {  	s3 =	sld [smem:$0x3FFC];
	_ =	sdelay $0x3  }
0x94: {  	_ =	strace s3  }
0x95: {  	s3 =	sld [smem:$0x3FFD];
	_ =	sdelay $0x3  }
0x96: {  	_ =	strace s3  }
0x97: {  	_ =	strace $0x8FFFFFFF  }
0x98: {  	s19 =	sld [smem:$0x3FDB];
	_ =	sdelay $0x1  }
0x99: {  	s4 =	simm.s32 $_scs_section_size  }
0x9a: {  	s5 =	simm.s32 $_size__tile_overlayer_lowered;
	s6 =	simm.s32 $_tile_overlayer_lowered  }
0x9b: {  	s22 =	simm.s32 $0x1BFF;
	s21 =	sshll.u32 s6, $0x1;
	s3 =	sadd.s32 s4, s19  }
0x9c: {  	s7 =	simm.s32 $0x0;
	s20 =	sshll.u32 s5, $0x1;
	s5 =	sadd.s32 s21, s3  }
0x9d: {  	[timem:s7], [sflag:s22] =	dma.local [hbm:s5], s20  }
0x9e: {  	_ =	swait.ge [sflag:s22], s20  }
0x9f: {  	s4 =	ssub.s32 $0x0, s20;
	[sflag:s22] =	ssyncset.done $0x0  }
0xa0: {  	[sflag:s22] =	ssyncadd.s32 s4;
	_ =	sdelay $0x1  }
0xa1: {  	s23 =	simm.s32 $0x1B8B  }
0xa2: {  	_ =	swait.ge [sflag:s23], $0x1  }
0xa3: {  	[sflag:s23] =	ssyncset.done $0x0  }
0xa4: {  	s25 =	simm.s32 $0x1B8E;
	s24 =	sld [smem:$0x3FFE];
	[sflag:s23] =	ssyncadd.s32 $0xFFFFFFFF  }
0xa5: {  	s26 =	simm.s32 $execute0_lowered;
	[smem:$0x3FD2] =	sst s25  }
0xa6: {  	s5 =	sshll.u32 s26, $0x1;
	_ =	strace $0x80000046;
	[dreg:$0x1] =	wrdreg $0xFFFFFFFF  }
0xa7: {  	s28 =	simm.s32 $_size_execute0_lowered;
	s3 =	sadd.s32 s3, s5;
	[dreg:$0x0] =	wrdreg $0x0  }
0xa8: {  	s5 =	sshll.u32 s28, $0x1;
	[dreg:$0x2] =	wrdreg s3  }
0xa9: {  	[dreg:$0x3] =	wrdreg s5  }
0xaa: {  	[dreg:$0x4] =	wrdreg $0xC0  }
0xab: {  	_ =	task [dreg:s7], $0x5FFFF  }
0xac: {  	[dreg:$0x1] =	wrdreg $0xFFFFFFFF  }
0xad: {  	[dreg:$0x0] =	wrdreg $0x60  }
0xae: {  	[dreg:$0x2] =	wrdreg s2  }
0xaf: {  	[dreg:$0x3] =	wrdreg s24  }
0xb0: {  	[dreg:$0x4] =	wrdreg $0x9  }
0xb1: {  	_ =	task.clear_ibuf [dreg:s7], $0x5FFFF;
	_ =	strace $0x90000046  }
0xb2: {  	s29 =	simm.s32 $0x9;
	_ =	strace $0x80000049  }
0xb3: {  	_ =	swait.ge [sflag:s29], $0x1  }
0xb4: {  	[sflag:s29] =	ssyncadd.s32 $0xFFFFFFFF  }
0xb5: {  	_ =	strace $0x90000049  }
0xb6: {  	_ =	sfence  }
0xb7: {  	s30 =	sld [smem:$0x0];
	_ =	sdelay $0x2  }
0xb8: {  	s31 =	sshll.u32 s1, $0xD;
	s1 =	sshrl.u32 s1, $0x2  }
0xb9: {  	s3 =	sand.u32 $0x4000, s31;
	s1 =	sadd.s32 s1, s30  }
0xba: {  	s0 =	sor.u32 s3, s0;
	s1 =	sshll.u32 s1, $0x11  }
0xbb: {  	s0 =	sor.u32 s1, s0  }
0xbc: {  	s0 =	sadd.s32 $0x8F2B, s0  }
0xbd: {  	[sflag:s0] =	ssyncadd.remote.s32 $0x1  }
0xbe: {  	_ =	sfence.sel $0xFFFF  }
0xbf: {  	[dreg:$0x0] =	wrdreg $0xFFFFFFFF;
	(pc) =	sbr.abs _section_cstart, $3  }
0xc0: {  	[dreg:$0x1] =	wrdreg $0xFFFFFFFF  }
0xc1: {  	_ =	task.clear_ibuf [dreg:s7], $0x2FFFF;
	_ =	strace $0x9FFFFFFF  }
0xc2: {  	(tm) =	ssettm $0x7FFFFFFF  }
0xc3: {  	_ =	shalt  }
tec
execute0_lowered:
.L_overlay_start_1:
0x0: {  	(tag) =	ssettag $0x1  }
0x1: {  	s0 =	srdreg.scid  }
0x2: {  	s3 =	sand.u32 $0x1, s0;
	s0 =	stileid.u32  }
0x3: {  	s4 =	sor.u32 s3, s0  }
0x4: {  	p0 =	sne.s32 s4, $0x0  }
.Ltmp0:
0x5: {  	_ = 	snop;
	(pc) =	sbr.rel @p0 .LBB2_5-.Ltmp0, $4  }
0x6: {  	_ = 	snop  }
0x7: {  	s2 =	rddreg [dreg:$0x0]  }
0x8: {  	s5 =	rddreg [dreg:$0x1]  }
0x9: {  	s1 =	rddreg [dreg:$0x2];
	_ =	strace $0x80000047  }
0xa: {  	s6 =	ssub.s32 $0x2, s3  }
0xb: {  	s3 =	sadd.s32 $0x3C00, s5;
	s4 =	sadd.s32 $0x3E00, s5;
	s5 =	sadd.s32 $0x4000, s5  }
0xc: {  	s8 =	simm.s32 $0x2;
	s9 =	simm.s32 $0x900;
	s10 =	simm.s32 $0x1200  }
0xd: {  	s11 =	simm.s32 $0x1B00;
	s12 =	simm.s32 $0x1;
	s7 =	sshrl.u32 s6, $0x1  }
0xe: {  	s13 =	simm.s32 $0x0;
	s6 =	ssub.s32 s6, s7;
	s7 =	simm.s32 $0x0  }
.LBB2_2:
0xf: {  	[tilespmem:s7], [sflag:$0x2] =	stream.linear.gather [hbm4b:s2+s7], $0x900, $0x38;
	[tilespmem:$0x2400] =	vst v63  }
0x10: {  	_ =	swait.ge [sflag:s8], $0x900  }
0x11: {  	[sflag:s8] =	ssyncset.done $0x0  }
0x12: {  	[sflag:s8] =	ssyncadd.s32 $0xFFFFF700  }
0x13: {  	[tilespmem:s9], [sflag:$0x2] =	stream.linear.gather [hbm4b:s3+s7], $0x900, $0x38;
	[tilespmem:$0x2400] =	vst v63  }
0x14: {  	_ =	swait.ge [sflag:s8], $0x900  }
0x15: {  	[sflag:s8] =	ssyncset.done $0x0  }
0x16: {  	[sflag:s8] =	ssyncadd.s32 $0xFFFFF700  }
0x17: {  	s15 =	simm.s32 $0x0;
	_ =	strace $0x80000048  }
0x18: {  	v0 =	vld [tilespmem:s15+$0x0]  }
0x19: {  	v1 =	vld [tilespmem:s15+$0x900];
	_ =	sdelay $0x3  }
0x1a: {  	s14 =	simm.s32 $0x10  }
0x1b: {  	v3 =	vld [tilespmem:s14+$0x0];
	v2 =	vmax.f32 v0, v1  }
0x1c: {  	v0 =	vsub.f32 v0, v2;
	v1 =	vsub.f32 v1, v2;
	v2 =	vld [tilespmem:s14+$0x900];
	_ =	sdelay $0x1  }
0x1d: {  	v0 =	vmul.f32 $1.442695020e+00, v0  }
0x1e: {  	v1 =	vmul.f32 $1.442695020e+00, v1  }
0x1f: {  	s16 =	simm.s32 $0x20;
	(erf) = vpow2.f32 v0  }
0x20: {  	v0 =	vld [tilespmem:s16+$0x0];
	(erf) = vpow2.f32 v1;
	v4 =	vmax.f32 v3, v2  }
0x21: {  	v1 =	vld [tilespmem:s16+$0x900];
	v3 =	vsub.f32 v3, v4  }
0x22: {  	v2 =	vsub.f32 v2, v4  }
0x23: {  	v3 =	vmul.f32 $1.442695020e+00, v3  }
0x24: {  	v2 =	vmul.f32 $1.442695020e+00, v2  }
0x25: {  	(erf) = vpow2.f32 v3  }
0x26: {  	v4 =	vmax.f32 v0, v1;
	(erf) = vpow2.f32 v2  }
0x27: {  	s17 =	simm.s32 $0x30;
	v0 =	vsub.f32 v0, v4  }
0x28: {  	v5 =	vld [tilespmem:s17+$0x900];
	v2 =	vpop (erf)  }
0x29: {  	v3 =	vld [tilespmem:s17+$0x0];
	v0 =	vmul.f32 $1.442695020e+00, v0;
	v6 =	vpop (erf)  }
0x2a: {  	v1 =	vsub.f32 v1, v4;
	v4 =	vadd.f32 v6, v2  }
0x2b: {  	(erf) = vpow2.f32 v0  }
0x2c: {  	(erf) = vrcp.f32 v4  }
0x2d: {  	v0 =	vmul.f32 $1.442695020e+00, v1  }
0x2e: {  	s18 =	simm.s32 $0x40;
	v1 =	vmax.f32 v3, v5;
	v7 =	vpop (erf)  }
0x2f: {  	v3 =	vsub.f32 v3, v1;
	v4 =	vld [tilespmem:s18+$0x900];
	(erf) = vpow2.f32 v0;
	v8 =	vpop (erf)  }
0x30: {  	v1 =	vsub.f32 v5, v1;
	v0 =	vld [tilespmem:s18+$0x0];
	v5 =	vadd.f32 v8, v7  }
0x31: {  	v3 =	vmul.f32 $1.442695020e+00, v3;
	_ =	sdelay $0x1  }
0x32: {  	v1 =	vmul.f32 $1.442695020e+00, v1;
	(erf) = vpow2.f32 v3  }
0x33: {  	(erf) = vrcp.f32 v5;
	v5 =	vpop (erf)  }
0x34: {  	s19 =	simm.s32 $0x50;
	v3 =	vmax.f32 v0, v4;
	(erf) = vpow2.f32 v1;
	v9 =	vpop (erf)  }
0x35: {  	v10 =	vld [tilespmem:s19+$0x0];
	v1 =	vsub.f32 v0, v3;
	v0 =	vmul.f32 v9, v2;
	v9 =	vmul.f32 v9, v6  }
0x36: {  	v6 =	vld [tilespmem:s19+$0x900];
	v2 =	vsub.f32 v4, v3  }
0x37: {  	v1 =	vmul.f32 $1.442695020e+00, v1;
	v12 =	vpop (erf);
	v4 =	vadd.f32 v9, v0  }
0x38: {  	v3 =	vadd.f32 v12, v5;
	v2 =	vmul.f32 $1.442695020e+00, v2  }
0x39: {  	(erf) = vpow2.f32 v1  }
0x3a: {  	(erf) = vrcp.f32 v3;
	v1 =	vadd.f32 $9.999999970e-07, v4  }
0x3b: {  	(erf) = vpow2.f32 v2;
	v3 =	vmax.f32 v10, v6;
	v4 =	vpop (erf)  }
0x3c: {  	(erf) = vrcp.f32 v1;
	v10 =	vsub.f32 v10, v3;
	v2 =	vpop (erf)  }
0x3d: {  	s20 =	simm.s32 $0x60;
	v1 =	vmul.f32 v2, v7;
	v2 =	vmul.f32 v2, v8  }
0x3e: {  	v11 =	vld [tilespmem:s20+$0x0];
	v3 =	vsub.f32 v6, v3;
	v7 =	vpop (erf);
	v8 =	vmul.f32 $1.442695020e+00, v10  }
0x3f: {  	v14 =	vld [tilespmem:s20+$0x900];
	v6 =	vadd.f32 v7, v4;
	v10 =	vadd.f32 v2, v1  }
0x40: {  	v3 =	vmul.f32 $1.442695020e+00, v3;
	(erf) = vpow2.f32 v8  }
0x41: {  	(erf) = vrcp.f32 v6;
	v13 =	vadd.f32 $9.999999970e-07, v10  }
0x42: {  	(erf) = vpow2.f32 v3  }
0x43: {  	v6 =	vpop (erf);
	(erf) = vrcp.f32 v13  }
0x44: {  	s21 =	simm.s32 $0x70;
	v8 =	vmax.f32 v11, v14;
	v10 =	vpop (erf)  }
0x45: {  	v15 =	vsub.f32 v11, v8;
	v3 =	vmul.f32 v10, v5;
	v5 =	vmul.f32 v10, v12;
	v10 =	vld [tilespmem:s21+$0x0]  }
0x46: {  	v11 =	vpop (erf);
	v12 =	vld [tilespmem:s21+$0x900]  }
0x47: {  	v14 =	vsub.f32 v14, v8;
	v13 =	vmul.f32 $1.442695020e+00, v15;
	v8 =	vpop (erf)  }
0x48: {  	s22 =	simm.s32 $0x200;
	v15 =	vadd.f32 v11, v6;
	v16 =	vadd.f32 v5, v3;
	v9 =	vmul.f32 v8, v9  }
.LBB2_3:
0x49: {  	p0 =	sne.s32 s22, $0x23C0;
	v19 =	vmul.f32 $1.442695020e+00, v14;
	(erf) = vpow2.f32 v13;
	v17 =	vmovc v11;
	v18 =	vmovc v2;
	v2 =	vmov v5  }
0x4a: {  	v8 =	vmul.f32 v8, v0;
	v0 =	vmovc v1;
	v1 =	vmovc v3;
	(erf) = vrcp.f32 v15;
	v5 =	vadd.f32 $9.999999970e-07, v16;
	[tilespmem:s15+$0x1B00] =	vst v9  }
.Ltmp1:
0x4b: {  	s23 =	sshra.s32 s22, $0x2;
	v9 =	vmax.f32 v10, v12;
	(erf) = vpow2.f32 v19;
	v15 =	vpop (erf);
	v14 =	vmov v12;
	(pc) =	sbr.rel @p0 .LBB2_3-.Ltmp1, $4  }
0x4c: {  	v13 =	vsub.f32 v10, v9;
	v10 =	vld [tilespmem:s23+$0x0];
	v16 =	vpop (erf);
	[tilespmem:s15+$0x1200] =	vst v8;
	s15 =	smov.u32 s14;
	s14 =	smov.u32 s16;
	s16 =	smov.u32 s17;
	(erf) = vrcp.f32 v5  }
0x4d: {  	s17 =	smov.u32 s18;
	s18 =	smov.u32 s19;
	s19 =	smov.u32 s20;
	v3 =	vmul.f32 v16, v4;
	v5 =	vmul.f32 v16, v7;
	v4 =	vmov v6;
	v12 =	vld [tilespmem:s23+$0x900];
	v11 =	vpop (erf)  }
0x4e: {  	v14 =	vsub.f32 v14, v9;
	s20 =	smov.u32 s21;
	s21 =	smov.u32 s23;
	v6 =	vmov v15;
	v13 =	vmul.f32 $1.442695020e+00, v13;
	v8 =	vpop (erf)  }
0x4f: {  	s22 =	sadd.s32 $0x40, s22;
	v7 =	vmovc v17;
	v15 =	vadd.f32 v11, v6;
	v16 =	vadd.f32 v5, v3;
	v9 =	vmul.f32 v8, v18  }
0x50: {  	_ =	sdelay $0x1  }
0x51: {  	v17 =	vmax.f32 v10, v12  }
0x52: {  	v14 =	vmul.f32 $1.442695020e+00, v14;
	(erf) = vpow2.f32 v13;
	v27 =	vpop (erf);
	v10 =	vsub.f32 v10, v17  }
0x53: {  	v28 =	vadd.f32 $9.999999970e-07, v16;
	(erf) = vrcp.f32 v15;
	v29 =	vpop (erf)  }
0x54: {  	(erf) = vpow2.f32 v14;
	v12 =	vsub.f32 v12, v17;
	v30 =	vpop (erf);
	v10 =	vmul.f32 $1.442695020e+00, v10  }
0x55: {  	(erf) = vrcp.f32 v28;
	v31 =	vadd.f32 v30, v27  }
0x56: {  	v12 =	vmul.f32 $1.442695020e+00, v12;
	(erf) = vpow2.f32 v10  }
0x57: {  	(erf) = vrcp.f32 v31  }
0x58: {  	(erf) = vpow2.f32 v12;
	_ =	sdelay $0x1  }
0x59: {  	v32 =	vpop (erf)  }
0x5a: {  	v4 =	vmul.f32 v29, v4;
	v7 =	vmul.f32 v29, v7;
	v33 =	vpop (erf)  }
0x5b: {  	v34 =	vpop (erf)  }
0x5c: {  	v16 =	vadd.f32 v7, v4;
	v35 =	vpop (erf);
	v6 =	vmul.f32 v34, v6;
	v11 =	vmul.f32 v34, v11  }
0x5d: {  	v36 =	vpop (erf)  }
0x5e: {  	v16 =	vadd.f32 $9.999999970e-07, v16;
	v18 =	vadd.f32 v11, v6;
	v19 =	vpop (erf)  }
0x5f: {  	v20 =	vadd.f32 v35, v33;
	v21 =	vpop (erf)  }
0x60: {  	(erf) = vrcp.f32 v16;
	v37 =	vadd.f32 $9.999999970e-07, v18;
	v38 =	vpop (erf)  }
0x61: {  	(erf) = vrcp.f32 v20;
	v39 =	vadd.f32 v38, v19  }
0x62: {  	(erf) = vrcp.f32 v37  }
0x63: {  	(erf) = vrcp.f32 v39;
	_ =	sdelay $0x4  }
0x64: {  	v13 =	vmul.f32 v21, v27;
	v14 =	vmul.f32 v21, v30  }
0x65: {  	v40 =	vpop (erf)  }
0x66: {  	v41 =	vadd.f32 v14, v13;
	v42 =	vpop (erf)  }
0x67: {  	v12 =	vmul.f32 v42, v33;
	v17 =	vmul.f32 v42, v35;
	v43 =	vpop (erf)  }
0x68: {  	v20 =	vadd.f32 $9.999999970e-07, v41;
	v22 =	vpop (erf)  }
0x69: {  	v44 =	vadd.f32 v17, v12;
	v19 =	vmul.f32 v22, v19;
	v18 =	vmul.f32 v22, v38;
	_ =	sdelay $0x1  }
0x6a: {  	(erf) = vrcp.f32 v20;
	v45 =	vadd.f32 $9.999999970e-07, v44;
	v46 =	vadd.f32 v18, v19  }
0x6b: {  	v0 =	vmul.f32 v8, v0  }
0x6c: {  	[tilespmem:s15+$0x1B00] =	vst v9;
	v2 =	vmul.f32 v32, v2;
	(erf) = vrcp.f32 v45;
	v47 =	vadd.f32 $9.999999970e-07, v46  }
0x6d: {  	[tilespmem:s15+$0x1200] =	vst v0;
	v48 =	vmul.f32 v32, v1  }
0x6e: {  	[tilespmem:s14+$0x1B00] =	vst v2;
	v49 =	vmul.f32 v36, v5;
	(erf) = vrcp.f32 v47  }
0x6f: {  	[tilespmem:s14+$0x1200] =	vst v48;
	v50 =	vmul.f32 v36, v3  }
0x70: {  	[tilespmem:s16+$0x1B00] =	vst v49;
	v51 =	vmul.f32 v40, v7  }
0x71: {  	[tilespmem:s16+$0x1200] =	vst v50;
	v52 =	vmul.f32 v40, v4  }
0x72: {  	[tilespmem:s17+$0x1B00] =	vst v51;
	v53 =	vmul.f32 v43, v11  }
0x73: {  	[tilespmem:s17+$0x1200] =	vst v52;
	v54 =	vmul.f32 v43, v6;
	v55 =	vpop (erf)  }
0x74: {  	[tilespmem:s18+$0x1B00] =	vst v53;
	v56 =	vmul.f32 v55, v14  }
0x75: {  	[tilespmem:s18+$0x1200] =	vst v54;
	v57 =	vmul.f32 v55, v13;
	v58 =	vpop (erf)  }
0x76: {  	[tilespmem:s19+$0x1B00] =	vst v56;
	v59 =	vmul.f32 v58, v17  }
0x77: {  	[tilespmem:s19+$0x1200] =	vst v57;
	v60 =	vmul.f32 v58, v12;
	v61 =	vpop (erf)  }
0x78: {  	[tilespmem:s20+$0x1B00] =	vst v59;
	v62 =	vmul.f32 v61, v18  }
0x79: {  	[tilespmem:s20+$0x1200] =	vst v60;
	v63 =	vmul.f32 v61, v19  }
0x7a: {  	[tilespmem:s21+$0x1B00] =	vst v62  }
0x7b: {  	[tilespmem:s21+$0x1200] =	vst v63  }
0x7c: {  	_ =	strace $0x90000048  }
0x7d: {  	[hbm4b:s4+s7] =	stream.linear.scatter [tilespmem:s10], [sflag:$0x2], $0x900, $0x38;
	[tilespmem:$0x2400] =	vst v63  }
0x7e: {  	s13 =	sadd.s32 $0x1, s13;
	_ =	swait.ge [sflag:s8], $0x900  }
0x7f: {  	p0 =	sne.s32 s13, s6;
	[sflag:s8] =	ssyncset.done $0x0  }
.Ltmp2:
0x80: {  	[sflag:s8] =	ssyncadd.s32 $0xFFFFF700;
	(pc) =	sbr.rel @p0 .LBB2_2-.Ltmp2, $4  }
0x81: {  	[hbm4b:s5+s7] =	stream.linear.scatter [tilespmem:s11], [sflag:$0x1], $0x900, $0x38;
	[tilespmem:$0x2400] =	vst v63  }
0x82: {  	_ =	swait.ge [sflag:s12], $0x900  }
0x83: {  	[sflag:s12] =	ssyncset.done $0x0  }
0x84: {  	[sflag:s12] =	ssyncadd.s32 $0xFFFFF700  }
.LBB2_5:
0x85: {  	_ =	sfence.sel $0x180000  }
0x86: {  	[bflag:$0x0] =	sbarrier.arrive $0xFFFF  }
0x87: {  	p0 =	sne.s32 s0, $0x0;
	_ =	strace $0x90000047  }
0x88: {  	s0 =	sadd.s32 @!p0 $0x100000, s1;
	[bflag:$0x2] =	sbarrier.arrive $0xFFFF  }
0x89: {  	[sflag:s0] =	ssyncadd.tile.s32 @!p0 $0x1;
	_ =	shalt  }
.Lfunc_end2:
_tile_overlayer_lowered:
.L_overlay_start_2:
0x8a: {  	(tag) =	ssettag $0x2  }
0x8b: {  	s0 =	rddreg [dreg:$0x0];
	s2 =	stileid.u32  }
0x8c: {  	s1 =	rddreg [dreg:$0x1];
	p0 =	sne.s32 s2, $0x0  }
0x8d: {  	s3 =	rddreg [dreg:$0x2];
	[bflag:$0x3] =	sbarrier.arrive $0xFFFF;
	s2 =	simm.s32 @!p0 $0x1C01  }
0x8e: {  	[timem:s3], [sflag:s2] =	dma.local @!p0 [hbm:s0], s1  }
0x8f: {  	s0 =	simm.s32 @!p0 $0x1  }
0x90: {  	_ =	swait.ge @!p0 [sflag:s0], s1  }
0x91: {  	s1 =	ssub.s32 @!p0 $0x0, s1;
	[sflag:s0] =	ssyncset.done @!p0 $0x0  }
0x92: {  	[sflag:s0] =	ssyncadd.s32 @!p0 s1  }
0x93: {  	[bflag:$0x3] =	sbarrier.arrive $0xFFFF  }
0x94: {  	_ =	shalt  }

</sc_bundles>
